<compile_context>
chip_gen: v7x
topology: tpu7x:2x2x1
jax: 0.10.2.dev20260603
libtpu: 0.0.44.dev20260713+nightly
codegen_flags: <defaults>
</compile_context>

<pallas_src>
import functools

import jax
import jax.numpy as jnp
from jax import lax
from jax.experimental import pallas as pl
from jax.experimental.pallas import tpu as pltpu
from jax.experimental.pallas import tpu_sc as plsc

CH = 128
NBUF = 4
NSP = 2


@functools.lru_cache(maxsize=None)
def _make_gather(V, D, NROWS):
    info = plsc.get_sparse_core_info()
    NC, NS = info.num_cores, info.num_subcores
    NW = NC * NS
    assert NROWS % (CH * NW) == 0
    nch = NROWS // (CH * NW)
    assert nch % 2 == 0 and nch >= 8
    mesh = plsc.VectorSubcoreMesh(core_axis_name="c", subcore_axis_name="s")

    @functools.partial(
        pl.kernel,
        mesh=mesh,
        out_type=jax.ShapeDtypeStruct((NROWS, D), jnp.float32),
        scratch_types=[
            pltpu.VMEM((nch, CH), jnp.int32),
            pltpu.VMEM((NBUF, CH, D), jnp.float32),
            pltpu.VMEM_SHARED((NS, NSP, CH, D), jnp.float32),
            pltpu.SemaphoreType.DMA,
            pltpu.SemaphoreType.DMA,
            pltpu.SemaphoreType.DMA,
            pltpu.SemaphoreType.DMA,
        ],
    )
    def k(table_hbm, idx_hbm, out_hbm, idx_v, rows_v, spm, gsem, pdsem, s1, s2):
        wid = lax.axis_index("s") * NC + lax.axis_index("c")
        sid = lax.axis_index("s")
        pltpu.sync_copy(idx_hbm.at[pl.ds(wid * nch, nch)], idx_v)
        row_base = wid * nch * CH

        def g_start(t):
            pltpu.async_copy(
                table_hbm.at[idx_v.at[t]], rows_v.at[lax.rem(t, NBUF)], gsem
            )

        def g_wait():
            pltpu.make_async_copy(
                table_hbm.at[idx_v.at[0]], rows_v.at[0], gsem
            ).wait()

        def pd_start(t):
            pltpu.async_copy(
                rows_v.at[lax.rem(t, NBUF)],
                out_hbm.at[pl.ds(row_base + t * CH, CH)],
                pdsem,
            )

        def pd_wait():
            pltpu.make_async_copy(
                rows_v.at[0], out_hbm.at[pl.ds(row_base, CH)], pdsem
            ).wait()

        def l1_start(t):
            pltpu.async_copy(
                rows_v.at[lax.rem(t, NBUF)],
                spm.at[sid, lax.rem(lax.div(t, 2), NSP)],
                s1,
            )

        def l1_wait():
            pltpu.make_async_copy(rows_v.at[0], spm.at[sid, 0], s1).wait()

        def l2_start(t):
            pltpu.async_copy(
                spm.at[sid, lax.rem(lax.div(t, 2), NSP)],
                out_hbm.at[pl.ds(row_base + t * CH, CH)],
                s2,
            )

        def l2_wait():
            pltpu.make_async_copy(
                spm.at[sid, 0], out_hbm.at[pl.ds(row_base, CH)], s2
            ).wait()

        g_start(0)
        g_start(1)
        g_start(2)
        g_wait()
        pd_start(0)
        g_start(3)
        g_wait()
        l1_start(1)
        pd_wait()
        g_start(4)
        g_wait()
        pd_start(2)
        l1_wait()
        g_start(5)
        g_wait()
        l1_start(3)
        l2_start(1)

        def body(p, _):
            t = p * 2
            l2_wait()
            pd_wait()
            g_start(t + 2)
            g_wait()
            pd_start(t)
            l1_wait()
            g_start(t + 3)
            g_wait()
            l1_start(t + 1)
            l2_start(t - 1)
            return ()

        lax.fori_loop(2, nch // 2 - 1, body, (), unroll=False)

        t = nch - 2
        l2_wait()
        pd_wait()
        g_wait()
        pd_start(t)
        l1_wait()
        g_wait()
        l1_start(t + 1)
        l2_start(t - 1)
        l1_wait()
        l2_start(nch - 1)
        pd_wait()
        l2_wait()
        l2_wait()

    return k


def kernel(input, weight):
    B, S = input.shape
    V, D = weight.shape
    idx = input.reshape(-1).astype(jnp.int32).reshape(-1, CH)
    out = _make_gather(V, D, B * S)(weight, idx)
    return out.reshape(B, S, D)

# --- scband reference (transcript-rebuilt; emitter-appended) ---
"""Pipeline reference for scband-token-embedding-79525614453440 (READ-ONLY COPY).

The authoritative reference and input builder live on the scoring server;
editing this copy changes nothing except your own understanding.
"""

import jax, jax.numpy as jnp
import numpy as np

VOCAB = 100000
D_MODEL = 128
PAD_IDX = 1

def setup_inputs(seed: int = 0) -> dict:
    key = jax.random.key(seed)
    k_idx, k_w = jax.random.split(key)
    indices = jax.random.randint(k_idx, (4096, 200), 0, VOCAB, dtype=jnp.int64)
    weight = jax.random.normal(k_w, (VOCAB, D_MODEL), dtype=jnp.float32)
    # padding_idx row is initialized to zeros, as in nn.Embedding(padding_idx=1)
    weight = weight.at[PAD_IDX].set(0.0)
    return {"input": indices, "weight": weight}

def reference(input, weight):
    # nn.Embedding forward: gather rows of the embedding table
    return jnp.take(weight, input, axis=0)

if __name__ == "__main__":
    import jax
    _d = setup_inputs()
    print(jax.jit(kernel)(*tuple(_d.values())))

</pallas_src>

<mosaic_0001>
#map = affine_map<(d0, d1) -> (0, 0)>
module attributes {stable_mosaic.version = 14 : i64} {
  func.func @k(%arg0: i32, %arg1: i32, %arg2: memref<100000x128xf32, #tpu.memory_space<hbm>>, %arg3: memref<6400x128xi32, #tpu.memory_space<hbm>>, %arg4: memref<819200x128xf32, #tpu.memory_space<hbm>>, %arg5: memref<200x128xi32, #tpu.memory_space<vmem>>, %arg6: memref<4x128x128xf32, #tpu.memory_space<vmem>>, %arg7: memref<16x2x128x128xf32, #tpu.memory_space<vmem_shared>>, %arg8: memref<!tpu.dma_semaphore, #tpu.memory_space<semaphore_mem>>, %arg9: memref<!tpu.dma_semaphore, #tpu.memory_space<semaphore_mem>>, %arg10: memref<!tpu.dma_semaphore, #tpu.memory_space<semaphore_mem>>, %arg11: memref<!tpu.dma_semaphore, #tpu.memory_space<semaphore_mem>>) attributes {dimension_semantics = [#tpu.dimension_semantics<core_parallel>, #tpu.dimension_semantics<subcore_parallel>], iteration_bounds = array<i64: 2, 16>, scalar_prefetch = 0 : i64, scratch_operands = 7 : i64, tpu.core_type = #tpu.core_type<sc_vector_subcore>, window_params = [{transform_indices = #map}, {transform_indices = #map}, {transform_indices = #map}]} {
    %mul3A = arith.constant 2 : i32
    %mul3A_0 = arith.muli %arg1, %mul3A : i32
    %add3A = arith.addi %mul3A_0, %arg0 : i32
    %mul3A_1 = arith.constant 200 : i32
    %mul3A_2 = arith.muli %add3A, %mul3A_1 : i32
    "tpu.region"() ({
      %run_scoped3A = tpu.sem_alloc : memref<!tpu.dma_semaphore, #tpu.memory_space<semaphore_mem>>
      %dma_start3A_439 = arith.constant 0 : i32
      %dma_start3A_440 = tpu.memref_slice %arg3[%mul3A_2, %dma_start3A_439] : memref<6400x128xi32, #tpu.memory_space<hbm>> -> memref<200x128xi32, #tpu.memory_space<hbm>>
      %dma_start3A_441 = arith.constant 0 : i32
      %dma_start3A_442 = tpu.memref_slice %arg3[%mul3A_2, %dma_start3A_441] : memref<6400x128xi32, #tpu.memory_space<hbm>> -> memref<200x128xi32, #tpu.memory_space<hbm>>
      tpu.enqueue_dma source(%dma_start3A_442 : memref<200x128xi32, #tpu.memory_space<hbm>>) target(%arg5 : memref<200x128xi32, #tpu.memory_space<vmem>>) target_semaphore(%run_scoped3A : memref<!tpu.dma_semaphore, #tpu.memory_space<semaphore_mem>>)
      %dma_wait3A_443 = arith.constant 0 : i32
      %dma_wait3A_444 = tpu.memref_slice %arg3[%mul3A_2, %dma_wait3A_443] : memref<6400x128xi32, #tpu.memory_space<hbm>> -> memref<200x128xi32, #tpu.memory_space<hbm>>
      %dma_wait3A_445 = arith.constant 0 : i32
      %dma_wait3A_446 = tpu.memref_slice %arg3[%mul3A_2, %dma_wait3A_445] : memref<6400x128xi32, #tpu.memory_space<hbm>> -> memref<200x128xi32, #tpu.memory_space<hbm>>
      tpu.wait_dma2 semaphore(%run_scoped3A : memref<!tpu.dma_semaphore, #tpu.memory_space<semaphore_mem>>) src(%dma_wait3A_446 : memref<200x128xi32, #tpu.memory_space<hbm>>) dst(%arg5 : memref<200x128xi32, #tpu.memory_space<vmem>>)
      tpu.yield
    }) : () -> ()
    %mul3A_3 = arith.constant 200 : i32
    %mul3A_4 = arith.muli %add3A, %mul3A_3 : i32
    %mul3A_5 = arith.constant 128 : i32
    %mul3A_6 = arith.muli %mul3A_4, %mul3A_5 : i32
    %rem3A = arith.constant 0 : i32
    %rem3A_7 = arith.constant 4 : i32
    %rem3A_8 = arith.remsi %rem3A, %rem3A_7 : i32
    %dma_start3A = arith.constant 0 : i32
    %dma_start3A_9 = arith.constant 0 : i32
    %dma_start3A_10 = arith.constant 0 : i32
    %dma_start3A_11 = tpu.memref_slice %arg6[%rem3A_8, %dma_start3A_9, %dma_start3A_10] : memref<4x128x128xf32, #tpu.memory_space<vmem>> -> memref<1x128x128xf32, #tpu.memory_space<vmem>>
    %dma_start3A_12 = tpu.memref_squeeze %dma_start3A_11 : memref<1x128x128xf32, #tpu.memory_space<vmem>> -> memref<128x128xf32, #tpu.memory_space<vmem>>
    %dma_start3A_13 = arith.constant 0 : i32
    %dma_start3A_14 = tpu.memref_slice %arg5[%dma_start3A, %dma_start3A_13] : memref<200x128xi32, #tpu.memory_space<vmem>> -> memref<1x128xi32, #tpu.memory_space<vmem>>
    %dma_start3A_15 = tpu.memref_squeeze %dma_start3A_14 : memref<1x128xi32, #tpu.memory_space<vmem>> -> memref<128xi32, #tpu.memory_space<vmem>>
    %dma_start3A_16 = arith.constant 0 : i32
    %dma_start3A_17 = arith.constant 0 : i32
    %dma_start3A_18 = tpu.memref_slice %arg2[%dma_start3A_16, %dma_start3A_17] : memref<100000x128xf32, #tpu.memory_space<hbm>> -> memref<100000x128xf32, #tpu.memory_space<hbm>>
    tpu.enqueue_indirect_dma source(%dma_start3A_18 : memref<100000x128xf32, #tpu.memory_space<hbm>>) target(%dma_start3A_12 : memref<128x128xf32, #tpu.memory_space<vmem>>) offsets(%dma_start3A_15 : memref<128xi32, #tpu.memory_space<vmem>>) semaphore(%arg8 : memref<!tpu.dma_semaphore, #tpu.memory_space<semaphore_mem>>)
    %rem3A_19 = arith.constant 1 : i32
    %rem3A_20 = arith.constant 4 : i32
    %rem3A_21 = arith.remsi %rem3A_19, %rem3A_20 : i32
    %dma_start3A_22 = arith.constant 1 : i32
    %dma_start3A_23 = arith.constant 0 : i32
    %dma_start3A_24 = arith.constant 0 : i32
    %dma_start3A_25 = tpu.memref_slice %arg6[%rem3A_21, %dma_start3A_23, %dma_start3A_24] : memref<4x128x128xf32, #tpu.memory_space<vmem>> -> memref<1x128x128xf32, #tpu.memory_space<vmem>>
    %dma_start3A_26 = tpu.memref_squeeze %dma_start3A_25 : memref<1x128x128xf32, #tpu.memory_space<vmem>> -> memref<128x128xf32, #tpu.memory_space<vmem>>
    %dma_start3A_27 = arith.constant 0 : i32
    %dma_start3A_28 = tpu.memref_slice %arg5[%dma_start3A_22, %dma_start3A_27] : memref<200x128xi32, #tpu.memory_space<vmem>> -> memref<1x128xi32, #tpu.memory_space<vmem>>
    %dma_start3A_29 = tpu.memref_squeeze %dma_start3A_28 : memref<1x128xi32, #tpu.memory_space<vmem>> -> memref<128xi32, #tpu.memory_space<vmem>>
    %dma_start3A_30 = arith.constant 0 : i32
    %dma_start3A_31 = arith.constant 0 : i32
    %dma_start3A_32 = tpu.memref_slice %arg2[%dma_start3A_30, %dma_start3A_31] : memref<100000x128xf32, #tpu.memory_space<hbm>> -> memref<100000x128xf32, #tpu.memory_space<hbm>>
    tpu.enqueue_indirect_dma source(%dma_start3A_32 : memref<100000x128xf32, #tpu.memory_space<hbm>>) target(%dma_start3A_26 : memref<128x128xf32, #tpu.memory_space<vmem>>) offsets(%dma_start3A_29 : memref<128xi32, #tpu.memory_space<vmem>>) semaphore(%arg8 : memref<!tpu.dma_semaphore, #tpu.memory_space<semaphore_mem>>)
    %rem3A_33 = arith.constant 2 : i32
    %rem3A_34 = arith.constant 4 : i32
    %rem3A_35 = arith.remsi %rem3A_33, %rem3A_34 : i32
    %dma_start3A_36 = arith.constant 2 : i32
    %dma_start3A_37 = arith.constant 0 : i32
    %dma_start3A_38 = arith.constant 0 : i32
    %dma_start3A_39 = tpu.memref_slice %arg6[%rem3A_35, %dma_start3A_37, %dma_start3A_38] : memref<4x128x128xf32, #tpu.memory_space<vmem>> -> memref<1x128x128xf32, #tpu.memory_space<vmem>>
    %dma_start3A_40 = tpu.memref_squeeze %dma_start3A_39 : memref<1x128x128xf32, #tpu.memory_space<vmem>> -> memref<128x128xf32, #tpu.memory_space<vmem>>
    %dma_start3A_41 = arith.constant 0 : i32
    %dma_start3A_42 = tpu.memref_slice %arg5[%dma_start3A_36, %dma_start3A_41] : memref<200x128xi32, #tpu.memory_space<vmem>> -> memref<1x128xi32, #tpu.memory_space<vmem>>
    %dma_start3A_43 = tpu.memref_squeeze %dma_start3A_42 : memref<1x128xi32, #tpu.memory_space<vmem>> -> memref<128xi32, #tpu.memory_space<vmem>>
    %dma_start3A_44 = arith.constant 0 : i32
    %dma_start3A_45 = arith.constant 0 : i32
    %dma_start3A_46 = tpu.memref_slice %arg2[%dma_start3A_44, %dma_start3A_45] : memref<100000x128xf32, #tpu.memory_space<hbm>> -> memref<100000x128xf32, #tpu.memory_space<hbm>>
    tpu.enqueue_indirect_dma source(%dma_start3A_46 : memref<100000x128xf32, #tpu.memory_space<hbm>>) target(%dma_start3A_40 : memref<128x128xf32, #tpu.memory_space<vmem>>) offsets(%dma_start3A_43 : memref<128xi32, #tpu.memory_space<vmem>>) semaphore(%arg8 : memref<!tpu.dma_semaphore, #tpu.memory_space<semaphore_mem>>)
    %dma_wait3A = arith.constant 0 : i32
    %dma_wait3A_47 = arith.constant 0 : i32
    %dma_wait3A_48 = arith.constant 0 : i32
    %dma_wait3A_49 = arith.constant 0 : i32
    %dma_wait3A_50 = tpu.memref_slice %arg6[%dma_wait3A_47, %dma_wait3A_48, %dma_wait3A_49] : memref<4x128x128xf32, #tpu.memory_space<vmem>> -> memref<1x128x128xf32, #tpu.memory_space<vmem>>
    %dma_wait3A_51 = tpu.memref_squeeze %dma_wait3A_50 : memref<1x128x128xf32, #tpu.memory_space<vmem>> -> memref<128x128xf32, #tpu.memory_space<vmem>>
    %dma_wait3A_52 = arith.constant 0 : i32
    %dma_wait3A_53 = tpu.memref_slice %arg5[%dma_wait3A, %dma_wait3A_52] : memref<200x128xi32, #tpu.memory_space<vmem>> -> memref<1x128xi32, #tpu.memory_space<vmem>>
    %dma_wait3A_54 = tpu.memref_squeeze %dma_wait3A_53 : memref<1x128xi32, #tpu.memory_space<vmem>> -> memref<128xi32, #tpu.memory_space<vmem>>
    %dma_wait3A_55 = arith.constant 0 : i32
    %dma_wait3A_56 = arith.constant 0 : i32
    %dma_wait3A_57 = tpu.memref_slice %arg2[%dma_wait3A_55, %dma_wait3A_56] : memref<100000x128xf32, #tpu.memory_space<hbm>> -> memref<100000x128xf32, #tpu.memory_space<hbm>>
    tpu.wait_indirect_dma semaphore(%arg8 : memref<!tpu.dma_semaphore, #tpu.memory_space<semaphore_mem>>) src(%dma_wait3A_57 : memref<100000x128xf32, #tpu.memory_space<hbm>>) dst(%dma_wait3A_51 : memref<128x128xf32, #tpu.memory_space<vmem>>)
    %rem3A_58 = arith.constant 0 : i32
    %rem3A_59 = arith.constant 4 : i32
    %rem3A_60 = arith.remsi %rem3A_58, %rem3A_59 : i32
    %add3A_61 = arith.constant 0 : i32
    %add3A_62 = arith.addi %mul3A_6, %add3A_61 : i32
    %dma_start3A_63 = arith.constant 0 : i32
    %dma_start3A_64 = arith.constant 0 : i32
    %dma_start3A_65 = tpu.memref_slice %arg6[%rem3A_60, %dma_start3A_63, %dma_start3A_64] : memref<4x128x128xf32, #tpu.memory_space<vmem>> -> memref<1x128x128xf32, #tpu.memory_space<vmem>>
    %dma_start3A_66 = tpu.memref_squeeze %dma_start3A_65 : memref<1x128x128xf32, #tpu.memory_space<vmem>> -> memref<128x128xf32, #tpu.memory_space<vmem>>
    %dma_start3A_67 = arith.constant 0 : i32
    %dma_start3A_68 = tpu.memref_slice %arg4[%add3A_62, %dma_start3A_67] : memref<819200x128xf32, #tpu.memory_space<hbm>> -> memref<128x128xf32, #tpu.memory_space<hbm>>
    %dma_start3A_69 = arith.constant 0 : i32
    %dma_start3A_70 = tpu.memref_slice %arg4[%add3A_62, %dma_start3A_69] : memref<819200x128xf32, #tpu.memory_space<hbm>> -> memref<128x128xf32, #tpu.memory_space<hbm>>
    %dma_start3A_71 = arith.constant 0 : i32
    %dma_start3A_72 = arith.constant 0 : i32
    %dma_start3A_73 = tpu.memref_slice %arg6[%rem3A_60, %dma_start3A_71, %dma_start3A_72] : memref<4x128x128xf32, #tpu.memory_space<vmem>> -> memref<1x128x128xf32, #tpu.memory_space<vmem>>
    %dma_start3A_74 = tpu.memref_squeeze %dma_start3A_73 : memref<1x128x128xf32, #tpu.memory_space<vmem>> -> memref<128x128xf32, #tpu.memory_space<vmem>>
    tpu.enqueue_dma source(%dma_start3A_74 : memref<128x128xf32, #tpu.memory_space<vmem>>) target(%dma_start3A_70 : memref<128x128xf32, #tpu.memory_space<hbm>>) target_semaphore(%arg9 : memref<!tpu.dma_semaphore, #tpu.memory_space<semaphore_mem>>)
    %rem3A_75 = arith.constant 3 : i32
    %rem3A_76 = arith.constant 4 : i32
    %rem3A_77 = arith.remsi %rem3A_75, %rem3A_76 : i32
    %dma_start3A_78 = arith.constant 3 : i32
    %dma_start3A_79 = arith.constant 0 : i32
    %dma_start3A_80 = arith.constant 0 : i32
    %dma_start3A_81 = tpu.memref_slice %arg6[%rem3A_77, %dma_start3A_79, %dma_start3A_80] : memref<4x128x128xf32, #tpu.memory_space<vmem>> -> memref<1x128x128xf32, #tpu.memory_space<vmem>>
    %dma_start3A_82 = tpu.memref_squeeze %dma_start3A_81 : memref<1x128x128xf32, #tpu.memory_space<vmem>> -> memref<128x128xf32, #tpu.memory_space<vmem>>
    %dma_start3A_83 = arith.constant 0 : i32
    %dma_start3A_84 = tpu.memref_slice %arg5[%dma_start3A_78, %dma_start3A_83] : memref<200x128xi32, #tpu.memory_space<vmem>> -> memref<1x128xi32, #tpu.memory_space<vmem>>
    %dma_start3A_85 = tpu.memref_squeeze %dma_start3A_84 : memref<1x128xi32, #tpu.memory_space<vmem>> -> memref<128xi32, #tpu.memory_space<vmem>>
    %dma_start3A_86 = arith.constant 0 : i32
    %dma_start3A_87 = arith.constant 0 : i32
    %dma_start3A_88 = tpu.memref_slice %arg2[%dma_start3A_86, %dma_start3A_87] : memref<100000x128xf32, #tpu.memory_space<hbm>> -> memref<100000x128xf32, #tpu.memory_space<hbm>>
    tpu.enqueue_indirect_dma source(%dma_start3A_88 : memref<100000x128xf32, #tpu.memory_space<hbm>>) target(%dma_start3A_82 : memref<128x128xf32, #tpu.memory_space<vmem>>) offsets(%dma_start3A_85 : memref<128xi32, #tpu.memory_space<vmem>>) semaphore(%arg8 : memref<!tpu.dma_semaphore, #tpu.memory_space<semaphore_mem>>)
    %dma_wait3A_89 = arith.constant 0 : i32
    %dma_wait3A_90 = arith.constant 0 : i32
    %dma_wait3A_91 = arith.constant 0 : i32
    %dma_wait3A_92 = arith.constant 0 : i32
    %dma_wait3A_93 = tpu.memref_slice %arg6[%dma_wait3A_90, %dma_wait3A_91, %dma_wait3A_92] : memref<4x128x128xf32, #tpu.memory_space<vmem>> -> memref<1x128x128xf32, #tpu.memory_space<vmem>>
    %dma_wait3A_94 = tpu.memref_squeeze %dma_wait3A_93 : memref<1x128x128xf32, #tpu.memory_space<vmem>> -> memref<128x128xf32, #tpu.memory_space<vmem>>
    %dma_wait3A_95 = arith.constant 0 : i32
    %dma_wait3A_96 = tpu.memref_slice %arg5[%dma_wait3A_89, %dma_wait3A_95] : memref<200x128xi32, #tpu.memory_space<vmem>> -> memref<1x128xi32, #tpu.memory_space<vmem>>
    %dma_wait3A_97 = tpu.memref_squeeze %dma_wait3A_96 : memref<1x128xi32, #tpu.memory_space<vmem>> -> memref<128xi32, #tpu.memory_space<vmem>>
    %dma_wait3A_98 = arith.constant 0 : i32
    %dma_wait3A_99 = arith.constant 0 : i32
    %dma_wait3A_100 = tpu.memref_slice %arg2[%dma_wait3A_98, %dma_wait3A_99] : memref<100000x128xf32, #tpu.memory_space<hbm>> -> memref<100000x128xf32, #tpu.memory_space<hbm>>
    tpu.wait_indirect_dma semaphore(%arg8 : memref<!tpu.dma_semaphore, #tpu.memory_space<semaphore_mem>>) src(%dma_wait3A_100 : memref<100000x128xf32, #tpu.memory_space<hbm>>) dst(%dma_wait3A_94 : memref<128x128xf32, #tpu.memory_space<vmem>>)
    %rem3A_101 = arith.constant 1 : i32
    %rem3A_102 = arith.constant 4 : i32
    %rem3A_103 = arith.remsi %rem3A_101, %rem3A_102 : i32
    %div3A = arith.constant 1 : i32
    %div3A_104 = arith.constant 2 : i32
    %div3A_105 = arith.divsi %div3A, %div3A_104 : i32
    %rem3A_106 = arith.constant 2 : i32
    %rem3A_107 = arith.remsi %div3A_105, %rem3A_106 : i32
    %dma_start3A_108 = arith.constant 0 : i32
    %dma_start3A_109 = arith.constant 0 : i32
    %dma_start3A_110 = tpu.memref_slice %arg6[%rem3A_103, %dma_start3A_108, %dma_start3A_109] : memref<4x128x128xf32, #tpu.memory_space<vmem>> -> memref<1x128x128xf32, #tpu.memory_space<vmem>>
    %dma_start3A_111 = tpu.memref_squeeze %dma_start3A_110 : memref<1x128x128xf32, #tpu.memory_space<vmem>> -> memref<128x128xf32, #tpu.memory_space<vmem>>
    %dma_start3A_112 = arith.constant 0 : i32
    %dma_start3A_113 = arith.constant 0 : i32
    %dma_start3A_114 = tpu.memref_slice %arg7[%arg1, %rem3A_107, %dma_start3A_112, %dma_start3A_113] : memref<16x2x128x128xf32, #tpu.memory_space<vmem_shared>> -> memref<1x1x128x128xf32, #tpu.memory_space<vmem_shared>>
    %dma_start3A_115 = tpu.memref_squeeze %dma_start3A_114 : memref<1x1x128x128xf32, #tpu.memory_space<vmem_shared>> -> memref<128x128xf32, #tpu.memory_space<vmem_shared>>
    %dma_start3A_116 = arith.constant 0 : i32
    %dma_start3A_117 = arith.constant 0 : i32
    %dma_start3A_118 = tpu.memref_slice %arg7[%arg1, %rem3A_107, %dma_start3A_116, %dma_start3A_117] : memref<16x2x128x128xf32, #tpu.memory_space<vmem_shared>> -> memref<1x1x128x128xf32, #tpu.memory_space<vmem_shared>>
    %dma_start3A_119 = tpu.memref_squeeze %dma_start3A_118 : memref<1x1x128x128xf32, #tpu.memory_space<vmem_shared>> -> memref<128x128xf32, #tpu.memory_space<vmem_shared>>
    %dma_start3A_120 = arith.constant 0 : i32
    %dma_start3A_121 = arith.constant 0 : i32
    %dma_start3A_122 = tpu.memref_slice %arg6[%rem3A_103, %dma_start3A_120, %dma_start3A_121] : memref<4x128x128xf32, #tpu.memory_space<vmem>> -> memref<1x128x128xf32, #tpu.memory_space<vmem>>
    %dma_start3A_123 = tpu.memref_squeeze %dma_start3A_122 : memref<1x128x128xf32, #tpu.memory_space<vmem>> -> memref<128x128xf32, #tpu.memory_space<vmem>>
    tpu.enqueue_dma source(%dma_start3A_123 : memref<128x128xf32, #tpu.memory_space<vmem>>) target(%dma_start3A_119 : memref<128x128xf32, #tpu.memory_space<vmem_shared>>) target_semaphore(%arg10 : memref<!tpu.dma_semaphore, #tpu.memory_space<semaphore_mem>>)
    %dma_wait3A_124 = arith.constant 0 : i32
    %dma_wait3A_125 = arith.constant 0 : i32
    %dma_wait3A_126 = arith.constant 0 : i32
    %dma_wait3A_127 = tpu.memref_slice %arg6[%dma_wait3A_124, %dma_wait3A_125, %dma_wait3A_126] : memref<4x128x128xf32, #tpu.memory_space<vmem>> -> memref<1x128x128xf32, #tpu.memory_space<vmem>>
    %dma_wait3A_128 = tpu.memref_squeeze %dma_wait3A_127 : memref<1x128x128xf32, #tpu.memory_space<vmem>> -> memref<128x128xf32, #tpu.memory_space<vmem>>
    %dma_wait3A_129 = arith.constant 0 : i32
    %dma_wait3A_130 = tpu.memref_slice %arg4[%mul3A_6, %dma_wait3A_129] : memref<819200x128xf32, #tpu.memory_space<hbm>> -> memref<128x128xf32, #tpu.memory_space<hbm>>
    %dma_wait3A_131 = arith.constant 0 : i32
    %dma_wait3A_132 = tpu.memref_slice %arg4[%mul3A_6, %dma_wait3A_131] : memref<819200x128xf32, #tpu.memory_space<hbm>> -> memref<128x128xf32, #tpu.memory_space<hbm>>
    %dma_wait3A_133 = arith.constant 0 : i32
    %dma_wait3A_134 = arith.constant 0 : i32
    %dma_wait3A_135 = tpu.memref_slice %arg6[%dma_wait3A_124, %dma_wait3A_133, %dma_wait3A_134] : memref<4x128x128xf32, #tpu.memory_space<vmem>> -> memref<1x128x128xf32, #tpu.memory_space<vmem>>
    %dma_wait3A_136 = tpu.memref_squeeze %dma_wait3A_135 : memref<1x128x128xf32, #tpu.memory_space<vmem>> -> memref<128x128xf32, #tpu.memory_space<vmem>>
    tpu.wait_dma2 semaphore(%arg9 : memref<!tpu.dma_semaphore, #tpu.memory_space<semaphore_mem>>) src(%dma_wait3A_136 : memref<128x128xf32, #tpu.memory_space<vmem>>) dst(%dma_wait3A_132 : memref<128x128xf32, #tpu.memory_space<hbm>>)
    %rem3A_137 = arith.constant 4 : i32
    %rem3A_138 = arith.constant 4 : i32
    %rem3A_139 = arith.remsi %rem3A_137, %rem3A_138 : i32
    %dma_start3A_140 = arith.constant 4 : i32
    %dma_start3A_141 = arith.constant 0 : i32
    %dma_start3A_142 = arith.constant 0 : i32
    %dma_start3A_143 = tpu.memref_slice %arg6[%rem3A_139, %dma_start3A_141, %dma_start3A_142] : memref<4x128x128xf32, #tpu.memory_space<vmem>> -> memref<1x128x128xf32, #tpu.memory_space<vmem>>
    %dma_start3A_144 = tpu.memref_squeeze %dma_start3A_143 : memref<1x128x128xf32, #tpu.memory_space<vmem>> -> memref<128x128xf32, #tpu.memory_space<vmem>>
    %dma_start3A_145 = arith.constant 0 : i32
    %dma_start3A_146 = tpu.memref_slice %arg5[%dma_start3A_140, %dma_start3A_145] : memref<200x128xi32, #tpu.memory_space<vmem>> -> memref<1x128xi32, #tpu.memory_space<vmem>>
    %dma_start3A_147 = tpu.memref_squeeze %dma_start3A_146 : memref<1x128xi32, #tpu.memory_space<vmem>> -> memref<128xi32, #tpu.memory_space<vmem>>
    %dma_start3A_148 = arith.constant 0 : i32
    %dma_start3A_149 = arith.constant 0 : i32
    %dma_start3A_150 = tpu.memref_slice %arg2[%dma_start3A_148, %dma_start3A_149] : memref<100000x128xf32, #tpu.memory_space<hbm>> -> memref<100000x128xf32, #tpu.memory_space<hbm>>
    tpu.enqueue_indirect_dma source(%dma_start3A_150 : memref<100000x128xf32, #tpu.memory_space<hbm>>) target(%dma_start3A_144 : memref<128x128xf32, #tpu.memory_space<vmem>>) offsets(%dma_start3A_147 : memref<128xi32, #tpu.memory_space<vmem>>) semaphore(%arg8 : memref<!tpu.dma_semaphore, #tpu.memory_space<semaphore_mem>>)
    %dma_wait3A_151 = arith.constant 0 : i32
    %dma_wait3A_152 = arith.constant 0 : i32
    %dma_wait3A_153 = arith.constant 0 : i32
    %dma_wait3A_154 = arith.constant 0 : i32
    %dma_wait3A_155 = tpu.memref_slice %arg6[%dma_wait3A_152, %dma_wait3A_153, %dma_wait3A_154] : memref<4x128x128xf32, #tpu.memory_space<vmem>> -> memref<1x128x128xf32, #tpu.memory_space<vmem>>
    %dma_wait3A_156 = tpu.memref_squeeze %dma_wait3A_155 : memref<1x128x128xf32, #tpu.memory_space<vmem>> -> memref<128x128xf32, #tpu.memory_space<vmem>>
    %dma_wait3A_157 = arith.constant 0 : i32
    %dma_wait3A_158 = tpu.memref_slice %arg5[%dma_wait3A_151, %dma_wait3A_157] : memref<200x128xi32, #tpu.memory_space<vmem>> -> memref<1x128xi32, #tpu.memory_space<vmem>>
    %dma_wait3A_159 = tpu.memref_squeeze %dma_wait3A_158 : memref<1x128xi32, #tpu.memory_space<vmem>> -> memref<128xi32, #tpu.memory_space<vmem>>
    %dma_wait3A_160 = arith.constant 0 : i32
    %dma_wait3A_161 = arith.constant 0 : i32
    %dma_wait3A_162 = tpu.memref_slice %arg2[%dma_wait3A_160, %dma_wait3A_161] : memref<100000x128xf32, #tpu.memory_space<hbm>> -> memref<100000x128xf32, #tpu.memory_space<hbm>>
    tpu.wait_indirect_dma semaphore(%arg8 : memref<!tpu.dma_semaphore, #tpu.memory_space<semaphore_mem>>) src(%dma_wait3A_162 : memref<100000x128xf32, #tpu.memory_space<hbm>>) dst(%dma_wait3A_156 : memref<128x128xf32, #tpu.memory_space<vmem>>)
    %rem3A_163 = arith.constant 2 : i32
    %rem3A_164 = arith.constant 4 : i32
    %rem3A_165 = arith.remsi %rem3A_163, %rem3A_164 : i32
    %add3A_166 = arith.constant 256 : i32
    %add3A_167 = arith.addi %mul3A_6, %add3A_166 : i32
    %dma_start3A_168 = arith.constant 0 : i32
    %dma_start3A_169 = arith.constant 0 : i32
    %dma_start3A_170 = tpu.memref_slice %arg6[%rem3A_165, %dma_start3A_168, %dma_start3A_169] : memref<4x128x128xf32, #tpu.memory_space<vmem>> -> memref<1x128x128xf32, #tpu.memory_space<vmem>>
    %dma_start3A_171 = tpu.memref_squeeze %dma_start3A_170 : memref<1x128x128xf32, #tpu.memory_space<vmem>> -> memref<128x128xf32, #tpu.memory_space<vmem>>
    %dma_start3A_172 = arith.constant 0 : i32
    %dma_start3A_173 = tpu.memref_slice %arg4[%add3A_167, %dma_start3A_172] : memref<819200x128xf32, #tpu.memory_space<hbm>> -> memref<128x128xf32, #tpu.memory_space<hbm>>
    %dma_start3A_174 = arith.constant 0 : i32
    %dma_start3A_175 = tpu.memref_slice %arg4[%add3A_167, %dma_start3A_174] : memref<819200x128xf32, #tpu.memory_space<hbm>> -> memref<128x128xf32, #tpu.memory_space<hbm>>
    %dma_start3A_176 = arith.constant 0 : i32
    %dma_start3A_177 = arith.constant 0 : i32
    %dma_start3A_178 = tpu.memref_slice %arg6[%rem3A_165, %dma_start3A_176, %dma_start3A_177] : memref<4x128x128xf32, #tpu.memory_space<vmem>> -> memref<1x128x128xf32, #tpu.memory_space<vmem>>
    %dma_start3A_179 = tpu.memref_squeeze %dma_start3A_178 : memref<1x128x128xf32, #tpu.memory_space<vmem>> -> memref<128x128xf32, #tpu.memory_space<vmem>>
    tpu.enqueue_dma source(%dma_start3A_179 : memref<128x128xf32, #tpu.memory_space<vmem>>) target(%dma_start3A_175 : memref<128x128xf32, #tpu.memory_space<hbm>>) target_semaphore(%arg9 : memref<!tpu.dma_semaphore, #tpu.memory_space<semaphore_mem>>)
    %dma_wait3A_180 = arith.constant 0 : i32
    %dma_wait3A_181 = arith.constant 0 : i32
    %dma_wait3A_182 = arith.constant 0 : i32
    %dma_wait3A_183 = arith.constant 0 : i32
    %dma_wait3A_184 = tpu.memref_slice %arg6[%dma_wait3A_180, %dma_wait3A_182, %dma_wait3A_183] : memref<4x128x128xf32, #tpu.memory_space<vmem>> -> memref<1x128x128xf32, #tpu.memory_space<vmem>>
    %dma_wait3A_185 = tpu.memref_squeeze %dma_wait3A_184 : memref<1x128x128xf32, #tpu.memory_space<vmem>> -> memref<128x128xf32, #tpu.memory_space<vmem>>
    %dma_wait3A_186 = arith.constant 0 : i32
    %dma_wait3A_187 = arith.constant 0 : i32
    %dma_wait3A_188 = tpu.memref_slice %arg7[%arg1, %dma_wait3A_181, %dma_wait3A_186, %dma_wait3A_187] : memref<16x2x128x128xf32, #tpu.memory_space<vmem_shared>> -> memref<1x1x128x128xf32, #tpu.memory_space<vmem_shared>>
    %dma_wait3A_189 = tpu.memref_squeeze %dma_wait3A_188 : memref<1x1x128x128xf32, #tpu.memory_space<vmem_shared>> -> memref<128x128xf32, #tpu.memory_space<vmem_shared>>
    %dma_wait3A_190 = arith.constant 0 : i32
    %dma_wait3A_191 = arith.constant 0 : i32
    %dma_wait3A_192 = tpu.memref_slice %arg7[%arg1, %dma_wait3A_181, %dma_wait3A_190, %dma_wait3A_191] : memref<16x2x128x128xf32, #tpu.memory_space<vmem_shared>> -> memref<1x1x128x128xf32, #tpu.memory_space<vmem_shared>>
    %dma_wait3A_193 = tpu.memref_squeeze %dma_wait3A_192 : memref<1x1x128x128xf32, #tpu.memory_space<vmem_shared>> -> memref<128x128xf32, #tpu.memory_space<vmem_shared>>
    %dma_wait3A_194 = arith.constant 0 : i32
    %dma_wait3A_195 = arith.constant 0 : i32
    %dma_wait3A_196 = tpu.memref_slice %arg6[%dma_wait3A_180, %dma_wait3A_194, %dma_wait3A_195] : memref<4x128x128xf32, #tpu.memory_space<vmem>> -> memref<1x128x128xf32, #tpu.memory_space<vmem>>
    %dma_wait3A_197 = tpu.memref_squeeze %dma_wait3A_196 : memref<1x128x128xf32, #tpu.memory_space<vmem>> -> memref<128x128xf32, #tpu.memory_space<vmem>>
    tpu.wait_dma2 semaphore(%arg10 : memref<!tpu.dma_semaphore, #tpu.memory_space<semaphore_mem>>) src(%dma_wait3A_197 : memref<128x128xf32, #tpu.memory_space<vmem>>) dst(%dma_wait3A_193 : memref<128x128xf32, #tpu.memory_space<vmem_shared>>)
    %rem3A_198 = arith.constant 5 : i32
    %rem3A_199 = arith.constant 4 : i32
    %rem3A_200 = arith.remsi %rem3A_198, %rem3A_199 : i32
    %dma_start3A_201 = arith.constant 5 : i32
    %dma_start3A_202 = arith.constant 0 : i32
    %dma_start3A_203 = arith.constant 0 : i32
    %dma_start3A_204 = tpu.memref_slice %arg6[%rem3A_200, %dma_start3A_202, %dma_start3A_203] : memref<4x128x128xf32, #tpu.memory_space<vmem>> -> memref<1x128x128xf32, #tpu.memory_space<vmem>>
    %dma_start3A_205 = tpu.memref_squeeze %dma_start3A_204 : memref<1x128x128xf32, #tpu.memory_space<vmem>> -> memref<128x128xf32, #tpu.memory_space<vmem>>
    %dma_start3A_206 = arith.constant 0 : i32
    %dma_start3A_207 = tpu.memref_slice %arg5[%dma_start3A_201, %dma_start3A_206] : memref<200x128xi32, #tpu.memory_space<vmem>> -> memref<1x128xi32, #tpu.memory_space<vmem>>
    %dma_start3A_208 = tpu.memref_squeeze %dma_start3A_207 : memref<1x128xi32, #tpu.memory_space<vmem>> -> memref<128xi32, #tpu.memory_space<vmem>>
    %dma_start3A_209 = arith.constant 0 : i32
    %dma_start3A_210 = arith.constant 0 : i32
    %dma_start3A_211 = tpu.memref_slice %arg2[%dma_start3A_209, %dma_start3A_210] : memref<100000x128xf32, #tpu.memory_space<hbm>> -> memref<100000x128xf32, #tpu.memory_space<hbm>>
    tpu.enqueue_indirect_dma source(%dma_start3A_211 : memref<100000x128xf32, #tpu.memory_space<hbm>>) target(%dma_start3A_205 : memref<128x128xf32, #tpu.memory_space<vmem>>) offsets(%dma_start3A_208 : memref<128xi32, #tpu.memory_space<vmem>>) semaphore(%arg8 : memref<!tpu.dma_semaphore, #tpu.memory_space<semaphore_mem>>)
    %dma_wait3A_212 = arith.constant 0 : i32
    %dma_wait3A_213 = arith.constant 0 : i32
    %dma_wait3A_214 = arith.constant 0 : i32
    %dma_wait3A_215 = arith.constant 0 : i32
    %dma_wait3A_216 = tpu.memref_slice %arg6[%dma_wait3A_213, %dma_wait3A_214, %dma_wait3A_215] : memref<4x128x128xf32, #tpu.memory_space<vmem>> -> memref<1x128x128xf32, #tpu.memory_space<vmem>>
    %dma_wait3A_217 = tpu.memref_squeeze %dma_wait3A_216 : memref<1x128x128xf32, #tpu.memory_space<vmem>> -> memref<128x128xf32, #tpu.memory_space<vmem>>
    %dma_wait3A_218 = arith.constant 0 : i32
    %dma_wait3A_219 = tpu.memref_slice %arg5[%dma_wait3A_212, %dma_wait3A_218] : memref<200x128xi32, #tpu.memory_space<vmem>> -> memref<1x128xi32, #tpu.memory_space<vmem>>
    %dma_wait3A_220 = tpu.memref_squeeze %dma_wait3A_219 : memref<1x128xi32, #tpu.memory_space<vmem>> -> memref<128xi32, #tpu.memory_space<vmem>>
    %dma_wait3A_221 = arith.constant 0 : i32
    %dma_wait3A_222 = arith.constant 0 : i32
    %dma_wait3A_223 = tpu.memref_slice %arg2[%dma_wait3A_221, %dma_wait3A_222] : memref<100000x128xf32, #tpu.memory_space<hbm>> -> memref<100000x128xf32, #tpu.memory_space<hbm>>
    tpu.wait_indirect_dma semaphore(%arg8 : memref<!tpu.dma_semaphore, #tpu.memory_space<semaphore_mem>>) src(%dma_wait3A_223 : memref<100000x128xf32, #tpu.memory_space<hbm>>) dst(%dma_wait3A_217 : memref<128x128xf32, #tpu.memory_space<vmem>>)
    %rem3A_224 = arith.constant 3 : i32
    %rem3A_225 = arith.constant 4 : i32
    %rem3A_226 = arith.remsi %rem3A_224, %rem3A_225 : i32
    %div3A_227 = arith.constant 3 : i32
    %div3A_228 = arith.constant 2 : i32
    %div3A_229 = arith.divsi %div3A_227, %div3A_228 : i32
    %rem3A_230 = arith.constant 2 : i32
    %rem3A_231 = arith.remsi %div3A_229, %rem3A_230 : i32
    %dma_start3A_232 = arith.constant 0 : i32
    %dma_start3A_233 = arith.constant 0 : i32
    %dma_start3A_234 = tpu.memref_slice %arg6[%rem3A_226, %dma_start3A_232, %dma_start3A_233] : memref<4x128x128xf32, #tpu.memory_space<vmem>> -> memref<1x128x128xf32, #tpu.memory_space<vmem>>
    %dma_start3A_235 = tpu.memref_squeeze %dma_start3A_234 : memref<1x128x128xf32, #tpu.memory_space<vmem>> -> memref<128x128xf32, #tpu.memory_space<vmem>>
    %dma_start3A_236 = arith.constant 0 : i32
    %dma_start3A_237 = arith.constant 0 : i32
    %dma_start3A_238 = tpu.memref_slice %arg7[%arg1, %rem3A_231, %dma_start3A_236, %dma_start3A_237] : memref<16x2x128x128xf32, #tpu.memory_space<vmem_shared>> -> memref<1x1x128x128xf32, #tpu.memory_space<vmem_shared>>
    %dma_start3A_239 = tpu.memref_squeeze %dma_start3A_238 : memref<1x1x128x128xf32, #tpu.memory_space<vmem_shared>> -> memref<128x128xf32, #tpu.memory_space<vmem_shared>>
    %dma_start3A_240 = arith.constant 0 : i32
    %dma_start3A_241 = arith.constant 0 : i32
    %dma_start3A_242 = tpu.memref_slice %arg7[%arg1, %rem3A_231, %dma_start3A_240, %dma_start3A_241] : memref<16x2x128x128xf32, #tpu.memory_space<vmem_shared>> -> memref<1x1x128x128xf32, #tpu.memory_space<vmem_shared>>
    %dma_start3A_243 = tpu.memref_squeeze %dma_start3A_242 : memref<1x1x128x128xf32, #tpu.memory_space<vmem_shared>> -> memref<128x128xf32, #tpu.memory_space<vmem_shared>>
    %dma_start3A_244 = arith.constant 0 : i32
    %dma_start3A_245 = arith.constant 0 : i32
    %dma_start3A_246 = tpu.memref_slice %arg6[%rem3A_226, %dma_start3A_244, %dma_start3A_245] : memref<4x128x128xf32, #tpu.memory_space<vmem>> -> memref<1x128x128xf32, #tpu.memory_space<vmem>>
    %dma_start3A_247 = tpu.memref_squeeze %dma_start3A_246 : memref<1x128x128xf32, #tpu.memory_space<vmem>> -> memref<128x128xf32, #tpu.memory_space<vmem>>
    tpu.enqueue_dma source(%dma_start3A_247 : memref<128x128xf32, #tpu.memory_space<vmem>>) target(%dma_start3A_243 : memref<128x128xf32, #tpu.memory_space<vmem_shared>>) target_semaphore(%arg10 : memref<!tpu.dma_semaphore, #tpu.memory_space<semaphore_mem>>)
    %div3A_248 = arith.constant 1 : i32
    %div3A_249 = arith.constant 2 : i32
    %div3A_250 = arith.divsi %div3A_248, %div3A_249 : i32
    %rem3A_251 = arith.constant 2 : i32
    %rem3A_252 = arith.remsi %div3A_250, %rem3A_251 : i32
    %add3A_253 = arith.constant 128 : i32
    %add3A_254 = arith.addi %mul3A_6, %add3A_253 : i32
    %dma_start3A_255 = arith.constant 0 : i32
    %dma_start3A_256 = tpu.memref_slice %arg4[%add3A_254, %dma_start3A_255] : memref<819200x128xf32, #tpu.memory_space<hbm>> -> memref<128x128xf32, #tpu.memory_space<hbm>>
    %dma_start3A_257 = arith.constant 0 : i32
    %dma_start3A_258 = arith.constant 0 : i32
    %dma_start3A_259 = tpu.memref_slice %arg7[%arg1, %rem3A_252, %dma_start3A_257, %dma_start3A_258] : memref<16x2x128x128xf32, #tpu.memory_space<vmem_shared>> -> memref<1x1x128x128xf32, #tpu.memory_space<vmem_shared>>
    %dma_start3A_260 = tpu.memref_squeeze %dma_start3A_259 : memref<1x1x128x128xf32, #tpu.memory_space<vmem_shared>> -> memref<128x128xf32, #tpu.memory_space<vmem_shared>>
    tpu.enqueue_dma source(%dma_start3A_260 : memref<128x128xf32, #tpu.memory_space<vmem_shared>>) target(%dma_start3A_256 : memref<128x128xf32, #tpu.memory_space<hbm>>) target_semaphore(%arg11 : memref<!tpu.dma_semaphore, #tpu.memory_space<semaphore_mem>>)
    %scan3A = arith.constant 2 : i32
    %scan3A_261 = arith.constant 97 : i32
    %scan3A_262 = arith.addi %scan3A, %scan3A_261 : i32
    %scan3A_263 = arith.constant 1 : i32
    scf.for %scan3A_439 = %scan3A to %scan3A_262 step %scan3A_263  : i32 {
      %mul3A_440 = arith.constant 2 : i32
      %mul3A_441 = arith.muli %scan3A_439, %mul3A_440 : i32
      %dma_wait3A_442 = arith.constant 0 : i32
      %dma_wait3A_443 = arith.constant 0 : i32
      %dma_wait3A_444 = tpu.memref_slice %arg4[%mul3A_6, %dma_wait3A_443] : memref<819200x128xf32, #tpu.memory_space<hbm>> -> memref<128x128xf32, #tpu.memory_space<hbm>>
      %dma_wait3A_445 = arith.constant 0 : i32
      %dma_wait3A_446 = arith.constant 0 : i32
      %dma_wait3A_447 = tpu.memref_slice %arg7[%arg1, %dma_wait3A_442, %dma_wait3A_445, %dma_wait3A_446] : memref<16x2x128x128xf32, #tpu.memory_space<vmem_shared>> -> memref<1x1x128x128xf32, #tpu.memory_space<vmem_shared>>
      %dma_wait3A_448 = tpu.memref_squeeze %dma_wait3A_447 : memref<1x1x128x128xf32, #tpu.memory_space<vmem_shared>> -> memref<128x128xf32, #tpu.memory_space<vmem_shared>>
      tpu.wait_dma2 semaphore(%arg11 : memref<!tpu.dma_semaphore, #tpu.memory_space<semaphore_mem>>) src(%dma_wait3A_448 : memref<128x128xf32, #tpu.memory_space<vmem_shared>>) dst(%dma_wait3A_444 : memref<128x128xf32, #tpu.memory_space<hbm>>)
      %dma_wait3A_449 = arith.constant 0 : i32
      %dma_wait3A_450 = arith.constant 0 : i32
      %dma_wait3A_451 = arith.constant 0 : i32
      %dma_wait3A_452 = tpu.memref_slice %arg6[%dma_wait3A_449, %dma_wait3A_450, %dma_wait3A_451] : memref<4x128x128xf32, #tpu.memory_space<vmem>> -> memref<1x128x128xf32, #tpu.memory_space<vmem>>
      %dma_wait3A_453 = tpu.memref_squeeze %dma_wait3A_452 : memref<1x128x128xf32, #tpu.memory_space<vmem>> -> memref<128x128xf32, #tpu.memory_space<vmem>>
      %dma_wait3A_454 = arith.constant 0 : i32
      %dma_wait3A_455 = tpu.memref_slice %arg4[%mul3A_6, %dma_wait3A_454] : memref<819200x128xf32, #tpu.memory_space<hbm>> -> memref<128x128xf32, #tpu.memory_space<hbm>>
      %dma_wait3A_456 = arith.constant 0 : i32
      %dma_wait3A_457 = tpu.memref_slice %arg4[%mul3A_6, %dma_wait3A_456] : memref<819200x128xf32, #tpu.memory_space<hbm>> -> memref<128x128xf32, #tpu.memory_space<hbm>>
      %dma_wait3A_458 = arith.constant 0 : i32
      %dma_wait3A_459 = arith.constant 0 : i32
      %dma_wait3A_460 = tpu.memref_slice %arg6[%dma_wait3A_449, %dma_wait3A_458, %dma_wait3A_459] : memref<4x128x128xf32, #tpu.memory_space<vmem>> -> memref<1x128x128xf32, #tpu.memory_space<vmem>>
      %dma_wait3A_461 = tpu.memref_squeeze %dma_wait3A_460 : memref<1x128x128xf32, #tpu.memory_space<vmem>> -> memref<128x128xf32, #tpu.memory_space<vmem>>
      tpu.wait_dma2 semaphore(%arg9 : memref<!tpu.dma_semaphore, #tpu.memory_space<semaphore_mem>>) src(%dma_wait3A_461 : memref<128x128xf32, #tpu.memory_space<vmem>>) dst(%dma_wait3A_457 : memref<128x128xf32, #tpu.memory_space<hbm>>)
      %add3A_462 = arith.constant 2 : i32
      %add3A_463 = arith.addi %mul3A_441, %add3A_462 : i32
      %rem3A_464 = arith.constant 4 : i32
      %rem3A_465 = arith.remsi %add3A_463, %rem3A_464 : i32
      %dma_start3A_466 = arith.constant 0 : i32
      %dma_start3A_467 = arith.constant 0 : i32
      %dma_start3A_468 = tpu.memref_slice %arg6[%rem3A_465, %dma_start3A_466, %dma_start3A_467] : memref<4x128x128xf32, #tpu.memory_space<vmem>> -> memref<1x128x128xf32, #tpu.memory_space<vmem>>
      %dma_start3A_469 = tpu.memref_squeeze %dma_start3A_468 : memref<1x128x128xf32, #tpu.memory_space<vmem>> -> memref<128x128xf32, #tpu.memory_space<vmem>>
      %dma_start3A_470 = arith.constant 0 : i32
      %dma_start3A_471 = tpu.memref_slice %arg5[%add3A_463, %dma_start3A_470] : memref<200x128xi32, #tpu.memory_space<vmem>> -> memref<1x128xi32, #tpu.memory_space<vmem>>
      %dma_start3A_472 = tpu.memref_squeeze %dma_start3A_471 : memref<1x128xi32, #tpu.memory_space<vmem>> -> memref<128xi32, #tpu.memory_space<vmem>>
      %dma_start3A_473 = arith.constant 0 : i32
      %dma_start3A_474 = arith.constant 0 : i32
      %dma_start3A_475 = tpu.memref_slice %arg2[%dma_start3A_473, %dma_start3A_474] : memref<100000x128xf32, #tpu.memory_space<hbm>> -> memref<100000x128xf32, #tpu.memory_space<hbm>>
      tpu.enqueue_indirect_dma source(%dma_start3A_475 : memref<100000x128xf32, #tpu.memory_space<hbm>>) target(%dma_start3A_469 : memref<128x128xf32, #tpu.memory_space<vmem>>) offsets(%dma_start3A_472 : memref<128xi32, #tpu.memory_space<vmem>>) semaphore(%arg8 : memref<!tpu.dma_semaphore, #tpu.memory_space<semaphore_mem>>)
      %dma_wait3A_476 = arith.constant 0 : i32
      %dma_wait3A_477 = arith.constant 0 : i32
      %dma_wait3A_478 = arith.constant 0 : i32
      %dma_wait3A_479 = arith.constant 0 : i32
      %dma_wait3A_480 = tpu.memref_slice %arg6[%dma_wait3A_477, %dma_wait3A_478, %dma_wait3A_479] : memref<4x128x128xf32, #tpu.memory_space<vmem>> -> memref<1x128x128xf32, #tpu.memory_space<vmem>>
      %dma_wait3A_481 = tpu.memref_squeeze %dma_wait3A_480 : memref<1x128x128xf32, #tpu.memory_space<vmem>> -> memref<128x128xf32, #tpu.memory_space<vmem>>
      %dma_wait3A_482 = arith.constant 0 : i32
      %dma_wait3A_483 = tpu.memref_slice %arg5[%dma_wait3A_476, %dma_wait3A_482] : memref<200x128xi32, #tpu.memory_space<vmem>> -> memref<1x128xi32, #tpu.memory_space<vmem>>
      %dma_wait3A_484 = tpu.memref_squeeze %dma_wait3A_483 : memref<1x128xi32, #tpu.memory_space<vmem>> -> memref<128xi32, #tpu.memory_space<vmem>>
      %dma_wait3A_485 = arith.constant 0 : i32
      %dma_wait3A_486 = arith.constant 0 : i32
      %dma_wait3A_487 = tpu.memref_slice %arg2[%dma_wait3A_485, %dma_wait3A_486] : memref<100000x128xf32, #tpu.memory_space<hbm>> -> memref<100000x128xf32, #tpu.memory_space<hbm>>
      tpu.wait_indirect_dma semaphore(%arg8 : memref<!tpu.dma_semaphore, #tpu.memory_space<semaphore_mem>>) src(%dma_wait3A_487 : memref<100000x128xf32, #tpu.memory_space<hbm>>) dst(%dma_wait3A_481 : memref<128x128xf32, #tpu.memory_space<vmem>>)
      %rem3A_488 = arith.constant 4 : i32
      %rem3A_489 = arith.remsi %mul3A_441, %rem3A_488 : i32
      %mul3A_490 = arith.constant 128 : i32
      %mul3A_491 = arith.muli %mul3A_441, %mul3A_490 : i32
      %add3A_492 = arith.addi %mul3A_6, %mul3A_491 : i32
      %dma_start3A_493 = arith.constant 0 : i32
      %dma_start3A_494 = arith.constant 0 : i32
      %dma_start3A_495 = tpu.memref_slice %arg6[%rem3A_489, %dma_start3A_493, %dma_start3A_494] : memref<4x128x128xf32, #tpu.memory_space<vmem>> -> memref<1x128x128xf32, #tpu.memory_space<vmem>>
      %dma_start3A_496 = tpu.memref_squeeze %dma_start3A_495 : memref<1x128x128xf32, #tpu.memory_space<vmem>> -> memref<128x128xf32, #tpu.memory_space<vmem>>
      %dma_start3A_497 = arith.constant 0 : i32
      %dma_start3A_498 = tpu.memref_slice %arg4[%add3A_492, %dma_start3A_497] : memref<819200x128xf32, #tpu.memory_space<hbm>> -> memref<128x128xf32, #tpu.memory_space<hbm>>
      %dma_start3A_499 = arith.constant 0 : i32
      %dma_start3A_500 = tpu.memref_slice %arg4[%add3A_492, %dma_start3A_499] : memref<819200x128xf32, #tpu.memory_space<hbm>> -> memref<128x128xf32, #tpu.memory_space<hbm>>
      %dma_start3A_501 = arith.constant 0 : i32
      %dma_start3A_502 = arith.constant 0 : i32
      %dma_start3A_503 = tpu.memref_slice %arg6[%rem3A_489, %dma_start3A_501, %dma_start3A_502] : memref<4x128x128xf32, #tpu.memory_space<vmem>> -> memref<1x128x128xf32, #tpu.memory_space<vmem>>
      %dma_start3A_504 = tpu.memref_squeeze %dma_start3A_503 : memref<1x128x128xf32, #tpu.memory_space<vmem>> -> memref<128x128xf32, #tpu.memory_space<vmem>>
      tpu.enqueue_dma source(%dma_start3A_504 : memref<128x128xf32, #tpu.memory_space<vmem>>) target(%dma_start3A_500 : memref<128x128xf32, #tpu.memory_space<hbm>>) target_semaphore(%arg9 : memref<!tpu.dma_semaphore, #tpu.memory_space<semaphore_mem>>)
      %dma_wait3A_505 = arith.constant 0 : i32
      %dma_wait3A_506 = arith.constant 0 : i32
      %dma_wait3A_507 = arith.constant 0 : i32
      %dma_wait3A_508 = arith.constant 0 : i32
      %dma_wait3A_509 = tpu.memref_slice %arg6[%dma_wait3A_505, %dma_wait3A_507, %dma_wait3A_508] : memref<4x128x128xf32, #tpu.memory_space<vmem>> -> memref<1x128x128xf32, #tpu.memory_space<vmem>>
      %dma_wait3A_510 = tpu.memref_squeeze %dma_wait3A_509 : memref<1x128x128xf32, #tpu.memory_space<vmem>> -> memref<128x128xf32, #tpu.memory_space<vmem>>
      %dma_wait3A_511 = arith.constant 0 : i32
      %dma_wait3A_512 = arith.constant 0 : i32
      %dma_wait3A_513 = tpu.memref_slice %arg7[%arg1, %dma_wait3A_506, %dma_wait3A_511, %dma_wait3A_512] : memref<16x2x128x128xf32, #tpu.memory_space<vmem_shared>> -> memref<1x1x128x128xf32, #tpu.memory_space<vmem_shared>>
      %dma_wait3A_514 = tpu.memref_squeeze %dma_wait3A_513 : memref<1x1x128x128xf32, #tpu.memory_space<vmem_shared>> -> memref<128x128xf32, #tpu.memory_space<vmem_shared>>
      %dma_wait3A_515 = arith.constant 0 : i32
      %dma_wait3A_516 = arith.constant 0 : i32
      %dma_wait3A_517 = tpu.memref_slice %arg7[%arg1, %dma_wait3A_506, %dma_wait3A_515, %dma_wait3A_516] : memref<16x2x128x128xf32, #tpu.memory_space<vmem_shared>> -> memref<1x1x128x128xf32, #tpu.memory_space<vmem_shared>>
      %dma_wait3A_518 = tpu.memref_squeeze %dma_wait3A_517 : memref<1x1x128x128xf32, #tpu.memory_space<vmem_shared>> -> memref<128x128xf32, #tpu.memory_space<vmem_shared>>
      %dma_wait3A_519 = arith.constant 0 : i32
      %dma_wait3A_520 = arith.constant 0 : i32
      %dma_wait3A_521 = tpu.memref_slice %arg6[%dma_wait3A_505, %dma_wait3A_519, %dma_wait3A_520] : memref<4x128x128xf32, #tpu.memory_space<vmem>> -> memref<1x128x128xf32, #tpu.memory_space<vmem>>
      %dma_wait3A_522 = tpu.memref_squeeze %dma_wait3A_521 : memref<1x128x128xf32, #tpu.memory_space<vmem>> -> memref<128x128xf32, #tpu.memory_space<vmem>>
      tpu.wait_dma2 semaphore(%arg10 : memref<!tpu.dma_semaphore, #tpu.memory_space<semaphore_mem>>) src(%dma_wait3A_522 : memref<128x128xf32, #tpu.memory_space<vmem>>) dst(%dma_wait3A_518 : memref<128x128xf32, #tpu.memory_space<vmem_shared>>)
      %add3A_523 = arith.constant 3 : i32
      %add3A_524 = arith.addi %mul3A_441, %add3A_523 : i32
      %rem3A_525 = arith.constant 4 : i32
      %rem3A_526 = arith.remsi %add3A_524, %rem3A_525 : i32
      %dma_start3A_527 = arith.constant 0 : i32
      %dma_start3A_528 = arith.constant 0 : i32
      %dma_start3A_529 = tpu.memref_slice %arg6[%rem3A_526, %dma_start3A_527, %dma_start3A_528] : memref<4x128x128xf32, #tpu.memory_space<vmem>> -> memref<1x128x128xf32, #tpu.memory_space<vmem>>
      %dma_start3A_530 = tpu.memref_squeeze %dma_start3A_529 : memref<1x128x128xf32, #tpu.memory_space<vmem>> -> memref<128x128xf32, #tpu.memory_space<vmem>>
      %dma_start3A_531 = arith.constant 0 : i32
      %dma_start3A_532 = tpu.memref_slice %arg5[%add3A_524, %dma_start3A_531] : memref<200x128xi32, #tpu.memory_space<vmem>> -> memref<1x128xi32, #tpu.memory_space<vmem>>
      %dma_start3A_533 = tpu.memref_squeeze %dma_start3A_532 : memref<1x128xi32, #tpu.memory_space<vmem>> -> memref<128xi32, #tpu.memory_space<vmem>>
      %dma_start3A_534 = arith.constant 0 : i32
      %dma_start3A_535 = arith.constant 0 : i32
      %dma_start3A_536 = tpu.memref_slice %arg2[%dma_start3A_534, %dma_start3A_535] : memref<100000x128xf32, #tpu.memory_space<hbm>> -> memref<100000x128xf32, #tpu.memory_space<hbm>>
      tpu.enqueue_indirect_dma source(%dma_start3A_536 : memref<100000x128xf32, #tpu.memory_space<hbm>>) target(%dma_start3A_530 : memref<128x128xf32, #tpu.memory_space<vmem>>) offsets(%dma_start3A_533 : memref<128xi32, #tpu.memory_space<vmem>>) semaphore(%arg8 : memref<!tpu.dma_semaphore, #tpu.memory_space<semaphore_mem>>)
      %dma_wait3A_537 = arith.constant 0 : i32
      %dma_wait3A_538 = arith.constant 0 : i32
      %dma_wait3A_539 = arith.constant 0 : i32
      %dma_wait3A_540 = arith.constant 0 : i32
      %dma_wait3A_541 = tpu.memref_slice %arg6[%dma_wait3A_538, %dma_wait3A_539, %dma_wait3A_540] : memref<4x128x128xf32, #tpu.memory_space<vmem>> -> memref<1x128x128xf32, #tpu.memory_space<vmem>>
      %dma_wait3A_542 = tpu.memref_squeeze %dma_wait3A_541 : memref<1x128x128xf32, #tpu.memory_space<vmem>> -> memref<128x128xf32, #tpu.memory_space<vmem>>
      %dma_wait3A_543 = arith.constant 0 : i32
      %dma_wait3A_544 = tpu.memref_slice %arg5[%dma_wait3A_537, %dma_wait3A_543] : memref<200x128xi32, #tpu.memory_space<vmem>> -> memref<1x128xi32, #tpu.memory_space<vmem>>
      %dma_wait3A_545 = tpu.memref_squeeze %dma_wait3A_544 : memref<1x128xi32, #tpu.memory_space<vmem>> -> memref<128xi32, #tpu.memory_space<vmem>>
      %dma_wait3A_546 = arith.constant 0 : i32
      %dma_wait3A_547 = arith.constant 0 : i32
      %dma_wait3A_548 = tpu.memref_slice %arg2[%dma_wait3A_546, %dma_wait3A_547] : memref<100000x128xf32, #tpu.memory_space<hbm>> -> memref<100000x128xf32, #tpu.memory_space<hbm>>
      tpu.wait_indirect_dma semaphore(%arg8 : memref<!tpu.dma_semaphore, #tpu.memory_space<semaphore_mem>>) src(%dma_wait3A_548 : memref<100000x128xf32, #tpu.memory_space<hbm>>) dst(%dma_wait3A_542 : memref<128x128xf32, #tpu.memory_space<vmem>>)
      %add3A_549 = arith.constant 1 : i32
      %add3A_550 = arith.addi %mul3A_441, %add3A_549 : i32
      %rem3A_551 = arith.constant 4 : i32
      %rem3A_552 = arith.remsi %add3A_550, %rem3A_551 : i32
      %div3A_553 = arith.constant 2 : i32
      %div3A_554 = arith.divsi %add3A_550, %div3A_553 : i32
      %rem3A_555 = arith.constant 2 : i32
      %rem3A_556 = arith.remsi %div3A_554, %rem3A_555 : i32
      %dma_start3A_557 = arith.constant 0 : i32
      %dma_start3A_558 = arith.constant 0 : i32
      %dma_start3A_559 = tpu.memref_slice %arg6[%rem3A_552, %dma_start3A_557, %dma_start3A_558] : memref<4x128x128xf32, #tpu.memory_space<vmem>> -> memref<1x128x128xf32, #tpu.memory_space<vmem>>
      %dma_start3A_560 = tpu.memref_squeeze %dma_start3A_559 : memref<1x128x128xf32, #tpu.memory_space<vmem>> -> memref<128x128xf32, #tpu.memory_space<vmem>>
      %dma_start3A_561 = arith.constant 0 : i32
      %dma_start3A_562 = arith.constant 0 : i32
      %dma_start3A_563 = tpu.memref_slice %arg7[%arg1, %rem3A_556, %dma_start3A_561, %dma_start3A_562] : memref<16x2x128x128xf32, #tpu.memory_space<vmem_shared>> -> memref<1x1x128x128xf32, #tpu.memory_space<vmem_shared>>
      %dma_start3A_564 = tpu.memref_squeeze %dma_start3A_563 : memref<1x1x128x128xf32, #tpu.memory_space<vmem_shared>> -> memref<128x128xf32, #tpu.memory_space<vmem_shared>>
      %dma_start3A_565 = arith.constant 0 : i32
      %dma_start3A_566 = arith.constant 0 : i32
      %dma_start3A_567 = tpu.memref_slice %arg7[%arg1, %rem3A_556, %dma_start3A_565, %dma_start3A_566] : memref<16x2x128x128xf32, #tpu.memory_space<vmem_shared>> -> memref<1x1x128x128xf32, #tpu.memory_space<vmem_shared>>
      %dma_start3A_568 = tpu.memref_squeeze %dma_start3A_567 : memref<1x1x128x128xf32, #tpu.memory_space<vmem_shared>> -> memref<128x128xf32, #tpu.memory_space<vmem_shared>>
      %dma_start3A_569 = arith.constant 0 : i32
      %dma_start3A_570 = arith.constant 0 : i32
      %dma_start3A_571 = tpu.memref_slice %arg6[%rem3A_552, %dma_start3A_569, %dma_start3A_570] : memref<4x128x128xf32, #tpu.memory_space<vmem>> -> memref<1x128x128xf32, #tpu.memory_space<vmem>>
      %dma_start3A_572 = tpu.memref_squeeze %dma_start3A_571 : memref<1x128x128xf32, #tpu.memory_space<vmem>> -> memref<128x128xf32, #tpu.memory_space<vmem>>
      tpu.enqueue_dma source(%dma_start3A_572 : memref<128x128xf32, #tpu.memory_space<vmem>>) target(%dma_start3A_568 : memref<128x128xf32, #tpu.memory_space<vmem_shared>>) target_semaphore(%arg10 : memref<!tpu.dma_semaphore, #tpu.memory_space<semaphore_mem>>)
      %sub3A = arith.constant 1 : i32
      %sub3A_573 = arith.subi %mul3A_441, %sub3A : i32
      %div3A_574 = arith.constant 2 : i32
      %div3A_575 = arith.divsi %sub3A_573, %div3A_574 : i32
      %rem3A_576 = arith.constant 2 : i32
      %rem3A_577 = arith.remsi %div3A_575, %rem3A_576 : i32
      %mul3A_578 = arith.constant 128 : i32
      %mul3A_579 = arith.muli %sub3A_573, %mul3A_578 : i32
      %add3A_580 = arith.addi %mul3A_6, %mul3A_579 : i32
      %dma_start3A_581 = arith.constant 0 : i32
      %dma_start3A_582 = tpu.memref_slice %arg4[%add3A_580, %dma_start3A_581] : memref<819200x128xf32, #tpu.memory_space<hbm>> -> memref<128x128xf32, #tpu.memory_space<hbm>>
      %dma_start3A_583 = arith.constant 0 : i32
      %dma_start3A_584 = arith.constant 0 : i32
      %dma_start3A_585 = tpu.memref_slice %arg7[%arg1, %rem3A_577, %dma_start3A_583, %dma_start3A_584] : memref<16x2x128x128xf32, #tpu.memory_space<vmem_shared>> -> memref<1x1x128x128xf32, #tpu.memory_space<vmem_shared>>
      %dma_start3A_586 = tpu.memref_squeeze %dma_start3A_585 : memref<1x1x128x128xf32, #tpu.memory_space<vmem_shared>> -> memref<128x128xf32, #tpu.memory_space<vmem_shared>>
      tpu.enqueue_dma source(%dma_start3A_586 : memref<128x128xf32, #tpu.memory_space<vmem_shared>>) target(%dma_start3A_582 : memref<128x128xf32, #tpu.memory_space<hbm>>) target_semaphore(%arg11 : memref<!tpu.dma_semaphore, #tpu.memory_space<semaphore_mem>>)
    }
    %scan3A_264 = arith.constant 97 : i32
    %dma_wait3A_265 = arith.constant 0 : i32
    %dma_wait3A_266 = arith.constant 0 : i32
    %dma_wait3A_267 = tpu.memref_slice %arg4[%mul3A_6, %dma_wait3A_266] : memref<819200x128xf32, #tpu.memory_space<hbm>> -> memref<128x128xf32, #tpu.memory_space<hbm>>
    %dma_wait3A_268 = arith.constant 0 : i32
    %dma_wait3A_269 = arith.constant 0 : i32
    %dma_wait3A_270 = tpu.memref_slice %arg7[%arg1, %dma_wait3A_265, %dma_wait3A_268, %dma_wait3A_269] : memref<16x2x128x128xf32, #tpu.memory_space<vmem_shared>> -> memref<1x1x128x128xf32, #tpu.memory_space<vmem_shared>>
    %dma_wait3A_271 = tpu.memref_squeeze %dma_wait3A_270 : memref<1x1x128x128xf32, #tpu.memory_space<vmem_shared>> -> memref<128x128xf32, #tpu.memory_space<vmem_shared>>
    tpu.wait_dma2 semaphore(%arg11 : memref<!tpu.dma_semaphore, #tpu.memory_space<semaphore_mem>>) src(%dma_wait3A_271 : memref<128x128xf32, #tpu.memory_space<vmem_shared>>) dst(%dma_wait3A_267 : memref<128x128xf32, #tpu.memory_space<hbm>>)
    %dma_wait3A_272 = arith.constant 0 : i32
    %dma_wait3A_273 = arith.constant 0 : i32
    %dma_wait3A_274 = arith.constant 0 : i32
    %dma_wait3A_275 = tpu.memref_slice %arg6[%dma_wait3A_272, %dma_wait3A_273, %dma_wait3A_274] : memref<4x128x128xf32, #tpu.memory_space<vmem>> -> memref<1x128x128xf32, #tpu.memory_space<vmem>>
    %dma_wait3A_276 = tpu.memref_squeeze %dma_wait3A_275 : memref<1x128x128xf32, #tpu.memory_space<vmem>> -> memref<128x128xf32, #tpu.memory_space<vmem>>
    %dma_wait3A_277 = arith.constant 0 : i32
    %dma_wait3A_278 = tpu.memref_slice %arg4[%mul3A_6, %dma_wait3A_277] : memref<819200x128xf32, #tpu.memory_space<hbm>> -> memref<128x128xf32, #tpu.memory_space<hbm>>
    %dma_wait3A_279 = arith.constant 0 : i32
    %dma_wait3A_280 = tpu.memref_slice %arg4[%mul3A_6, %dma_wait3A_279] : memref<819200x128xf32, #tpu.memory_space<hbm>> -> memref<128x128xf32, #tpu.memory_space<hbm>>
    %dma_wait3A_281 = arith.constant 0 : i32
    %dma_wait3A_282 = arith.constant 0 : i32
    %dma_wait3A_283 = tpu.memref_slice %arg6[%dma_wait3A_272, %dma_wait3A_281, %dma_wait3A_282] : memref<4x128x128xf32, #tpu.memory_space<vmem>> -> memref<1x128x128xf32, #tpu.memory_space<vmem>>
    %dma_wait3A_284 = tpu.memref_squeeze %dma_wait3A_283 : memref<1x128x128xf32, #tpu.memory_space<vmem>> -> memref<128x128xf32, #tpu.memory_space<vmem>>
    tpu.wait_dma2 semaphore(%arg9 : memref<!tpu.dma_semaphore, #tpu.memory_space<semaphore_mem>>) src(%dma_wait3A_284 : memref<128x128xf32, #tpu.memory_space<vmem>>) dst(%dma_wait3A_280 : memref<128x128xf32, #tpu.memory_space<hbm>>)
    %dma_wait3A_285 = arith.constant 0 : i32
    %dma_wait3A_286 = arith.constant 0 : i32
    %dma_wait3A_287 = arith.constant 0 : i32
    %dma_wait3A_288 = arith.constant 0 : i32
    %dma_wait3A_289 = tpu.memref_slice %arg6[%dma_wait3A_286, %dma_wait3A_287, %dma_wait3A_288] : memref<4x128x128xf32, #tpu.memory_space<vmem>> -> memref<1x128x128xf32, #tpu.memory_space<vmem>>
    %dma_wait3A_290 = tpu.memref_squeeze %dma_wait3A_289 : memref<1x128x128xf32, #tpu.memory_space<vmem>> -> memref<128x128xf32, #tpu.memory_space<vmem>>
    %dma_wait3A_291 = arith.constant 0 : i32
    %dma_wait3A_292 = tpu.memref_slice %arg5[%dma_wait3A_285, %dma_wait3A_291] : memref<200x128xi32, #tpu.memory_space<vmem>> -> memref<1x128xi32, #tpu.memory_space<vmem>>
    %dma_wait3A_293 = tpu.memref_squeeze %dma_wait3A_292 : memref<1x128xi32, #tpu.memory_space<vmem>> -> memref<128xi32, #tpu.memory_space<vmem>>
    %dma_wait3A_294 = arith.constant 0 : i32
    %dma_wait3A_295 = arith.constant 0 : i32
    %dma_wait3A_296 = tpu.memref_slice %arg2[%dma_wait3A_294, %dma_wait3A_295] : memref<100000x128xf32, #tpu.memory_space<hbm>> -> memref<100000x128xf32, #tpu.memory_space<hbm>>
    tpu.wait_indirect_dma semaphore(%arg8 : memref<!tpu.dma_semaphore, #tpu.memory_space<semaphore_mem>>) src(%dma_wait3A_296 : memref<100000x128xf32, #tpu.memory_space<hbm>>) dst(%dma_wait3A_290 : memref<128x128xf32, #tpu.memory_space<vmem>>)
    %rem3A_297 = arith.constant 198 : i32
    %rem3A_298 = arith.constant 4 : i32
    %rem3A_299 = arith.remsi %rem3A_297, %rem3A_298 : i32
    %add3A_300 = arith.constant 25344 : i32
    %add3A_301 = arith.addi %mul3A_6, %add3A_300 : i32
    %dma_start3A_302 = arith.constant 0 : i32
    %dma_start3A_303 = arith.constant 0 : i32
    %dma_start3A_304 = tpu.memref_slice %arg6[%rem3A_299, %dma_start3A_302, %dma_start3A_303] : memref<4x128x128xf32, #tpu.memory_space<vmem>> -> memref<1x128x128xf32, #tpu.memory_space<vmem>>
    %dma_start3A_305 = tpu.memref_squeeze %dma_start3A_304 : memref<1x128x128xf32, #tpu.memory_space<vmem>> -> memref<128x128xf32, #tpu.memory_space<vmem>>
    %dma_start3A_306 = arith.constant 0 : i32
    %dma_start3A_307 = tpu.memref_slice %arg4[%add3A_301, %dma_start3A_306] : memref<819200x128xf32, #tpu.memory_space<hbm>> -> memref<128x128xf32, #tpu.memory_space<hbm>>
    %dma_start3A_308 = arith.constant 0 : i32
    %dma_start3A_309 = tpu.memref_slice %arg4[%add3A_301, %dma_start3A_308] : memref<819200x128xf32, #tpu.memory_space<hbm>> -> memref<128x128xf32, #tpu.memory_space<hbm>>
    %dma_start3A_310 = arith.constant 0 : i32
    %dma_start3A_311 = arith.constant 0 : i32
    %dma_start3A_312 = tpu.memref_slice %arg6[%rem3A_299, %dma_start3A_310, %dma_start3A_311] : memref<4x128x128xf32, #tpu.memory_space<vmem>> -> memref<1x128x128xf32, #tpu.memory_space<vmem>>
    %dma_start3A_313 = tpu.memref_squeeze %dma_start3A_312 : memref<1x128x128xf32, #tpu.memory_space<vmem>> -> memref<128x128xf32, #tpu.memory_space<vmem>>
    tpu.enqueue_dma source(%dma_start3A_313 : memref<128x128xf32, #tpu.memory_space<vmem>>) target(%dma_start3A_309 : memref<128x128xf32, #tpu.memory_space<hbm>>) target_semaphore(%arg9 : memref<!tpu.dma_semaphore, #tpu.memory_space<semaphore_mem>>)
    %dma_wait3A_314 = arith.constant 0 : i32
    %dma_wait3A_315 = arith.constant 0 : i32
    %dma_wait3A_316 = arith.constant 0 : i32
    %dma_wait3A_317 = arith.constant 0 : i32
    %dma_wait3A_318 = tpu.memref_slice %arg6[%dma_wait3A_314, %dma_wait3A_316, %dma_wait3A_317] : memref<4x128x128xf32, #tpu.memory_space<vmem>> -> memref<1x128x128xf32, #tpu.memory_space<vmem>>
    %dma_wait3A_319 = tpu.memref_squeeze %dma_wait3A_318 : memref<1x128x128xf32, #tpu.memory_space<vmem>> -> memref<128x128xf32, #tpu.memory_space<vmem>>
    %dma_wait3A_320 = arith.constant 0 : i32
    %dma_wait3A_321 = arith.constant 0 : i32
    %dma_wait3A_322 = tpu.memref_slice %arg7[%arg1, %dma_wait3A_315, %dma_wait3A_320, %dma_wait3A_321] : memref<16x2x128x128xf32, #tpu.memory_space<vmem_shared>> -> memref<1x1x128x128xf32, #tpu.memory_space<vmem_shared>>
    %dma_wait3A_323 = tpu.memref_squeeze %dma_wait3A_322 : memref<1x1x128x128xf32, #tpu.memory_space<vmem_shared>> -> memref<128x128xf32, #tpu.memory_space<vmem_shared>>
    %dma_wait3A_324 = arith.constant 0 : i32
    %dma_wait3A_325 = arith.constant 0 : i32
    %dma_wait3A_326 = tpu.memref_slice %arg7[%arg1, %dma_wait3A_315, %dma_wait3A_324, %dma_wait3A_325] : memref<16x2x128x128xf32, #tpu.memory_space<vmem_shared>> -> memref<1x1x128x128xf32, #tpu.memory_space<vmem_shared>>
    %dma_wait3A_327 = tpu.memref_squeeze %dma_wait3A_326 : memref<1x1x128x128xf32, #tpu.memory_space<vmem_shared>> -> memref<128x128xf32, #tpu.memory_space<vmem_shared>>
    %dma_wait3A_328 = arith.constant 0 : i32
    %dma_wait3A_329 = arith.constant 0 : i32
    %dma_wait3A_330 = tpu.memref_slice %arg6[%dma_wait3A_314, %dma_wait3A_328, %dma_wait3A_329] : memref<4x128x128xf32, #tpu.memory_space<vmem>> -> memref<1x128x128xf32, #tpu.memory_space<vmem>>
    %dma_wait3A_331 = tpu.memref_squeeze %dma_wait3A_330 : memref<1x128x128xf32, #tpu.memory_space<vmem>> -> memref<128x128xf32, #tpu.memory_space<vmem>>
    tpu.wait_dma2 semaphore(%arg10 : memref<!tpu.dma_semaphore, #tpu.memory_space<semaphore_mem>>) src(%dma_wait3A_331 : memref<128x128xf32, #tpu.memory_space<vmem>>) dst(%dma_wait3A_327 : memref<128x128xf32, #tpu.memory_space<vmem_shared>>)
    %dma_wait3A_332 = arith.constant 0 : i32
    %dma_wait3A_333 = arith.constant 0 : i32
    %dma_wait3A_334 = arith.constant 0 : i32
    %dma_wait3A_335 = arith.constant 0 : i32
    %dma_wait3A_336 = tpu.memref_slice %arg6[%dma_wait3A_333, %dma_wait3A_334, %dma_wait3A_335] : memref<4x128x128xf32, #tpu.memory_space<vmem>> -> memref<1x128x128xf32, #tpu.memory_space<vmem>>
    %dma_wait3A_337 = tpu.memref_squeeze %dma_wait3A_336 : memref<1x128x128xf32, #tpu.memory_space<vmem>> -> memref<128x128xf32, #tpu.memory_space<vmem>>
    %dma_wait3A_338 = arith.constant 0 : i32
    %dma_wait3A_339 = tpu.memref_slice %arg5[%dma_wait3A_332, %dma_wait3A_338] : memref<200x128xi32, #tpu.memory_space<vmem>> -> memref<1x128xi32, #tpu.memory_space<vmem>>
    %dma_wait3A_340 = tpu.memref_squeeze %dma_wait3A_339 : memref<1x128xi32, #tpu.memory_space<vmem>> -> memref<128xi32, #tpu.memory_space<vmem>>
    %dma_wait3A_341 = arith.constant 0 : i32
    %dma_wait3A_342 = arith.constant 0 : i32
    %dma_wait3A_343 = tpu.memref_slice %arg2[%dma_wait3A_341, %dma_wait3A_342] : memref<100000x128xf32, #tpu.memory_space<hbm>> -> memref<100000x128xf32, #tpu.memory_space<hbm>>
    tpu.wait_indirect_dma semaphore(%arg8 : memref<!tpu.dma_semaphore, #tpu.memory_space<semaphore_mem>>) src(%dma_wait3A_343 : memref<100000x128xf32, #tpu.memory_space<hbm>>) dst(%dma_wait3A_337 : memref<128x128xf32, #tpu.memory_space<vmem>>)
    %rem3A_344 = arith.constant 199 : i32
    %rem3A_345 = arith.constant 4 : i32
    %rem3A_346 = arith.remsi %rem3A_344, %rem3A_345 : i32
    %div3A_347 = arith.constant 199 : i32
    %div3A_348 = arith.constant 2 : i32
    %div3A_349 = arith.divsi %div3A_347, %div3A_348 : i32
    %rem3A_350 = arith.constant 2 : i32
    %rem3A_351 = arith.remsi %div3A_349, %rem3A_350 : i32
    %dma_start3A_352 = arith.constant 0 : i32
    %dma_start3A_353 = arith.constant 0 : i32
    %dma_start3A_354 = tpu.memref_slice %arg6[%rem3A_346, %dma_start3A_352, %dma_start3A_353] : memref<4x128x128xf32, #tpu.memory_space<vmem>> -> memref<1x128x128xf32, #tpu.memory_space<vmem>>
    %dma_start3A_355 = tpu.memref_squeeze %dma_start3A_354 : memref<1x128x128xf32, #tpu.memory_space<vmem>> -> memref<128x128xf32, #tpu.memory_space<vmem>>
    %dma_start3A_356 = arith.constant 0 : i32
    %dma_start3A_357 = arith.constant 0 : i32
    %dma_start3A_358 = tpu.memref_slice %arg7[%arg1, %rem3A_351, %dma_start3A_356, %dma_start3A_357] : memref<16x2x128x128xf32, #tpu.memory_space<vmem_shared>> -> memref<1x1x128x128xf32, #tpu.memory_space<vmem_shared>>
    %dma_start3A_359 = tpu.memref_squeeze %dma_start3A_358 : memref<1x1x128x128xf32, #tpu.memory_space<vmem_shared>> -> memref<128x128xf32, #tpu.memory_space<vmem_shared>>
    %dma_start3A_360 = arith.constant 0 : i32
    %dma_start3A_361 = arith.constant 0 : i32
    %dma_start3A_362 = tpu.memref_slice %arg7[%arg1, %rem3A_351, %dma_start3A_360, %dma_start3A_361] : memref<16x2x128x128xf32, #tpu.memory_space<vmem_shared>> -> memref<1x1x128x128xf32, #tpu.memory_space<vmem_shared>>
    %dma_start3A_363 = tpu.memref_squeeze %dma_start3A_362 : memref<1x1x128x128xf32, #tpu.memory_space<vmem_shared>> -> memref<128x128xf32, #tpu.memory_space<vmem_shared>>
    %dma_start3A_364 = arith.constant 0 : i32
    %dma_start3A_365 = arith.constant 0 : i32
    %dma_start3A_366 = tpu.memref_slice %arg6[%rem3A_346, %dma_start3A_364, %dma_start3A_365] : memref<4x128x128xf32, #tpu.memory_space<vmem>> -> memref<1x128x128xf32, #tpu.memory_space<vmem>>
    %dma_start3A_367 = tpu.memref_squeeze %dma_start3A_366 : memref<1x128x128xf32, #tpu.memory_space<vmem>> -> memref<128x128xf32, #tpu.memory_space<vmem>>
    tpu.enqueue_dma source(%dma_start3A_367 : memref<128x128xf32, #tpu.memory_space<vmem>>) target(%dma_start3A_363 : memref<128x128xf32, #tpu.memory_space<vmem_shared>>) target_semaphore(%arg10 : memref<!tpu.dma_semaphore, #tpu.memory_space<semaphore_mem>>)
    %div3A_368 = arith.constant 197 : i32
    %div3A_369 = arith.constant 2 : i32
    %div3A_370 = arith.divsi %div3A_368, %div3A_369 : i32
    %rem3A_371 = arith.constant 2 : i32
    %rem3A_372 = arith.remsi %div3A_370, %rem3A_371 : i32
    %add3A_373 = arith.constant 25216 : i32
    %add3A_374 = arith.addi %mul3A_6, %add3A_373 : i32
    %dma_start3A_375 = arith.constant 0 : i32
    %dma_start3A_376 = tpu.memref_slice %arg4[%add3A_374, %dma_start3A_375] : memref<819200x128xf32, #tpu.memory_space<hbm>> -> memref<128x128xf32, #tpu.memory_space<hbm>>
    %dma_start3A_377 = arith.constant 0 : i32
    %dma_start3A_378 = arith.constant 0 : i32
    %dma_start3A_379 = tpu.memref_slice %arg7[%arg1, %rem3A_372, %dma_start3A_377, %dma_start3A_378] : memref<16x2x128x128xf32, #tpu.memory_space<vmem_shared>> -> memref<1x1x128x128xf32, #tpu.memory_space<vmem_shared>>
    %dma_start3A_380 = tpu.memref_squeeze %dma_start3A_379 : memref<1x1x128x128xf32, #tpu.memory_space<vmem_shared>> -> memref<128x128xf32, #tpu.memory_space<vmem_shared>>
    tpu.enqueue_dma source(%dma_start3A_380 : memref<128x128xf32, #tpu.memory_space<vmem_shared>>) target(%dma_start3A_376 : memref<128x128xf32, #tpu.memory_space<hbm>>) target_semaphore(%arg11 : memref<!tpu.dma_semaphore, #tpu.memory_space<semaphore_mem>>)
    %dma_wait3A_381 = arith.constant 0 : i32
    %dma_wait3A_382 = arith.constant 0 : i32
    %dma_wait3A_383 = arith.constant 0 : i32
    %dma_wait3A_384 = arith.constant 0 : i32
    %dma_wait3A_385 = tpu.memref_slice %arg6[%dma_wait3A_381, %dma_wait3A_383, %dma_wait3A_384] : memref<4x128x128xf32, #tpu.memory_space<vmem>> -> memref<1x128x128xf32, #tpu.memory_space<vmem>>
    %dma_wait3A_386 = tpu.memref_squeeze %dma_wait3A_385 : memref<1x128x128xf32, #tpu.memory_space<vmem>> -> memref<128x128xf32, #tpu.memory_space<vmem>>
    %dma_wait3A_387 = arith.constant 0 : i32
    %dma_wait3A_388 = arith.constant 0 : i32
    %dma_wait3A_389 = tpu.memref_slice %arg7[%arg1, %dma_wait3A_382, %dma_wait3A_387, %dma_wait3A_388] : memref<16x2x128x128xf32, #tpu.memory_space<vmem_shared>> -> memref<1x1x128x128xf32, #tpu.memory_space<vmem_shared>>
    %dma_wait3A_390 = tpu.memref_squeeze %dma_wait3A_389 : memref<1x1x128x128xf32, #tpu.memory_space<vmem_shared>> -> memref<128x128xf32, #tpu.memory_space<vmem_shared>>
    %dma_wait3A_391 = arith.constant 0 : i32
    %dma_wait3A_392 = arith.constant 0 : i32
    %dma_wait3A_393 = tpu.memref_slice %arg7[%arg1, %dma_wait3A_382, %dma_wait3A_391, %dma_wait3A_392] : memref<16x2x128x128xf32, #tpu.memory_space<vmem_shared>> -> memref<1x1x128x128xf32, #tpu.memory_space<vmem_shared>>
    %dma_wait3A_394 = tpu.memref_squeeze %dma_wait3A_393 : memref<1x1x128x128xf32, #tpu.memory_space<vmem_shared>> -> memref<128x128xf32, #tpu.memory_space<vmem_shared>>
    %dma_wait3A_395 = arith.constant 0 : i32
    %dma_wait3A_396 = arith.constant 0 : i32
    %dma_wait3A_397 = tpu.memref_slice %arg6[%dma_wait3A_381, %dma_wait3A_395, %dma_wait3A_396] : memref<4x128x128xf32, #tpu.memory_space<vmem>> -> memref<1x128x128xf32, #tpu.memory_space<vmem>>
    %dma_wait3A_398 = tpu.memref_squeeze %dma_wait3A_397 : memref<1x128x128xf32, #tpu.memory_space<vmem>> -> memref<128x128xf32, #tpu.memory_space<vmem>>
    tpu.wait_dma2 semaphore(%arg10 : memref<!tpu.dma_semaphore, #tpu.memory_space<semaphore_mem>>) src(%dma_wait3A_398 : memref<128x128xf32, #tpu.memory_space<vmem>>) dst(%dma_wait3A_394 : memref<128x128xf32, #tpu.memory_space<vmem_shared>>)
    %div3A_399 = arith.constant 199 : i32
    %div3A_400 = arith.constant 2 : i32
    %div3A_401 = arith.divsi %div3A_399, %div3A_400 : i32
    %rem3A_402 = arith.constant 2 : i32
    %rem3A_403 = arith.remsi %div3A_401, %rem3A_402 : i32
    %add3A_404 = arith.constant 25472 : i32
    %add3A_405 = arith.addi %mul3A_6, %add3A_404 : i32
    %dma_start3A_406 = arith.constant 0 : i32
    %dma_start3A_407 = tpu.memref_slice %arg4[%add3A_405, %dma_start3A_406] : memref<819200x128xf32, #tpu.memory_space<hbm>> -> memref<128x128xf32, #tpu.memory_space<hbm>>
    %dma_start3A_408 = arith.constant 0 : i32
    %dma_start3A_409 = arith.constant 0 : i32
    %dma_start3A_410 = tpu.memref_slice %arg7[%arg1, %rem3A_403, %dma_start3A_408, %dma_start3A_409] : memref<16x2x128x128xf32, #tpu.memory_space<vmem_shared>> -> memref<1x1x128x128xf32, #tpu.memory_space<vmem_shared>>
    %dma_start3A_411 = tpu.memref_squeeze %dma_start3A_410 : memref<1x1x128x128xf32, #tpu.memory_space<vmem_shared>> -> memref<128x128xf32, #tpu.memory_space<vmem_shared>>
    tpu.enqueue_dma source(%dma_start3A_411 : memref<128x128xf32, #tpu.memory_space<vmem_shared>>) target(%dma_start3A_407 : memref<128x128xf32, #tpu.memory_space<hbm>>) target_semaphore(%arg11 : memref<!tpu.dma_semaphore, #tpu.memory_space<semaphore_mem>>)
    %dma_wait3A_412 = arith.constant 0 : i32
    %dma_wait3A_413 = arith.constant 0 : i32
    %dma_wait3A_414 = arith.constant 0 : i32
    %dma_wait3A_415 = tpu.memref_slice %arg6[%dma_wait3A_412, %dma_wait3A_413, %dma_wait3A_414] : memref<4x128x128xf32, #tpu.memory_space<vmem>> -> memref<1x128x128xf32, #tpu.memory_space<vmem>>
    %dma_wait3A_416 = tpu.memref_squeeze %dma_wait3A_415 : memref<1x128x128xf32, #tpu.memory_space<vmem>> -> memref<128x128xf32, #tpu.memory_space<vmem>>
    %dma_wait3A_417 = arith.constant 0 : i32
    %dma_wait3A_418 = tpu.memref_slice %arg4[%mul3A_6, %dma_wait3A_417] : memref<819200x128xf32, #tpu.memory_space<hbm>> -> memref<128x128xf32, #tpu.memory_space<hbm>>
    %dma_wait3A_419 = arith.constant 0 : i32
    %dma_wait3A_420 = tpu.memref_slice %arg4[%mul3A_6, %dma_wait3A_419] : memref<819200x128xf32, #tpu.memory_space<hbm>> -> memref<128x128xf32, #tpu.memory_space<hbm>>
    %dma_wait3A_421 = arith.constant 0 : i32
    %dma_wait3A_422 = arith.constant 0 : i32
    %dma_wait3A_423 = tpu.memref_slice %arg6[%dma_wait3A_412, %dma_wait3A_421, %dma_wait3A_422] : memref<4x128x128xf32, #tpu.memory_space<vmem>> -> memref<1x128x128xf32, #tpu.memory_space<vmem>>
    %dma_wait3A_424 = tpu.memref_squeeze %dma_wait3A_423 : memref<1x128x128xf32, #tpu.memory_space<vmem>> -> memref<128x128xf32, #tpu.memory_space<vmem>>
    tpu.wait_dma2 semaphore(%arg9 : memref<!tpu.dma_semaphore, #tpu.memory_space<semaphore_mem>>) src(%dma_wait3A_424 : memref<128x128xf32, #tpu.memory_space<vmem>>) dst(%dma_wait3A_420 : memref<128x128xf32, #tpu.memory_space<hbm>>)
    %dma_wait3A_425 = arith.constant 0 : i32
    %dma_wait3A_426 = arith.constant 0 : i32
    %dma_wait3A_427 = tpu.memref_slice %arg4[%mul3A_6, %dma_wait3A_426] : memref<819200x128xf32, #tpu.memory_space<hbm>> -> memref<128x128xf32, #tpu.memory_space<hbm>>
    %dma_wait3A_428 = arith.constant 0 : i32
    %dma_wait3A_429 = arith.constant 0 : i32
    %dma_wait3A_430 = tpu.memref_slice %arg7[%arg1, %dma_wait3A_425, %dma_wait3A_428, %dma_wait3A_429] : memref<16x2x128x128xf32, #tpu.memory_space<vmem_shared>> -> memref<1x1x128x128xf32, #tpu.memory_space<vmem_shared>>
    %dma_wait3A_431 = tpu.memref_squeeze %dma_wait3A_430 : memref<1x1x128x128xf32, #tpu.memory_space<vmem_shared>> -> memref<128x128xf32, #tpu.memory_space<vmem_shared>>
    tpu.wait_dma2 semaphore(%arg11 : memref<!tpu.dma_semaphore, #tpu.memory_space<semaphore_mem>>) src(%dma_wait3A_431 : memref<128x128xf32, #tpu.memory_space<vmem_shared>>) dst(%dma_wait3A_427 : memref<128x128xf32, #tpu.memory_space<hbm>>)
    %dma_wait3A_432 = arith.constant 0 : i32
    %dma_wait3A_433 = arith.constant 0 : i32
    %dma_wait3A_434 = tpu.memref_slice %arg4[%mul3A_6, %dma_wait3A_433] : memref<819200x128xf32, #tpu.memory_space<hbm>> -> memref<128x128xf32, #tpu.memory_space<hbm>>
    %dma_wait3A_435 = arith.constant 0 : i32
    %dma_wait3A_436 = arith.constant 0 : i32
    %dma_wait3A_437 = tpu.memref_slice %arg7[%arg1, %dma_wait3A_432, %dma_wait3A_435, %dma_wait3A_436] : memref<16x2x128x128xf32, #tpu.memory_space<vmem_shared>> -> memref<1x1x128x128xf32, #tpu.memory_space<vmem_shared>>
    %dma_wait3A_438 = tpu.memref_squeeze %dma_wait3A_437 : memref<1x1x128x128xf32, #tpu.memory_space<vmem_shared>> -> memref<128x128xf32, #tpu.memory_space<vmem_shared>>
    tpu.wait_dma2 semaphore(%arg11 : memref<!tpu.dma_semaphore, #tpu.memory_space<semaphore_mem>>) src(%dma_wait3A_438 : memref<128x128xf32, #tpu.memory_space<vmem_shared>>) dst(%dma_wait3A_434 : memref<128x128xf32, #tpu.memory_space<hbm>>)
    return
  }
}

</mosaic_0001>

<sc_bundles>
// kernel: kernel.3.cloned.1.call-start
scs
__scs_entry_jumppad:
0x0: {  	(pc) =	sbr.rel $0x88, $3  }
0x1: {  	(tag) =	ssettag $0x0;
	lr =	simm.s32 $0x1  }
0x2: {  	[smem:$0x3F9F] =	sst lr;
	_ =	strace $0xD0000000  }
0x3: {  	_ = 	snop  }
0x4: {  	_ = 	snop  }
0x5: {  	_ = 	snop  }
0x6: {  	_ = 	snop  }
0x7: {  	_ = 	snop  }
__scs_overlays_trampoline_lowered:
0x8: {  	[smem:$0x3FAE] =	sst s0  }
0x9: {  	[smem:$0x3FAF] =	sst s1  }
0xa: {  	[smem:$0x3FB0] =	sst s2  }
0xb: {  	[smem:$0x3FB1] =	sst s3  }
0xc: {  	[smem:$0x3FB2] =	sst s4  }
0xd: {  	[smem:$0x3FB3] =	sst s5  }
0xe: {  	[smem:$0x3FB4] =	sst s6  }
0xf: {  	[smem:$0x3FB5] =	sst s7  }
0x10: {  	[smem:$0x3FB6] =	sst s8  }
0x11: {  	[smem:$0x3FB7] =	sst s9;
	s0 =	simm.s32 @!p0 $0x0  }
0x12: {  	s1 =	sld [smem:$0x3F9D];
	s0 =	simm.s32 @p0 $0x1  }
0x13: {  	[smem:$0x3FB8] =	sst s0;
	s0 =	simm.s32 @!p1 $0x0  }
0x14: {  	s2 =	sld [smem:$0x3F9C];
	s0 =	simm.s32 @p1 $0x1  }
0x15: {  	[smem:$0x3FB9] =	sst s0;
	s0 =	simm.s32 @!p2 $0x0  }
0x16: {  	s3 =	sld [smem:$0x3FDB];
	s0 =	simm.s32 @p2 $0x1  }
0x17: {  	s4 =	simm.s32 $0x1BF5;
	[smem:$0x3FBB] =	sst s0  }
0x18: {  	s0 =	sld [smem:$0x3F9E];
	_ =	swait.ge [sflag:s4], $0x0  }
0x19: {  	s7 =	sld [smem:$0x3F9F]  }
0x1a: {  	s8 =	sadd.s32 $0xFFFFE003, lr  }
0x1b: {  	s9 =	sadd.s32 $0xFFFFFEF7, lr;
	s5 =	simm.s32 $0xFFFFFFFF;
	p2 =	slt.u32 s8, $0xFFFFF086  }
0x1c: {  	p1 =	slt.u32 s9, $0xF7A;
	s5 =	simm.s32 @!p2 $0x0  }
0x1d: {  	s5 =	simm.s32 @p1 $0x1;
	p0 =	seq.s32 s7, s2  }
0x1e: {  	s7 =	smul.u32 @!p0 $0xF7A, s2;
	p2 =	seq.s32 @!p0 s5, $0x0  }
0x1f: {  	s9 =	smul.u32 $0xF7A, s1;
	s8 =	simm.s32 @!p0 $0x1BF5;
	p2 =	por !p2, p0  }
0x20: {  	[sflag:s8] =	ssyncset.s32 @!p0 $0xFFFFF086;
	s6 =	sadd.s32 @!p0 s3, s7;
	s7 =	simm.s32 @!p0 $0x108  }
0x21: {  	s3 =	sadd.s32 s3, s9;
	s6 =	sadd.s32 @!p0 $0x88, s6;
	s7 =	simm.s32 @p2 $0x1082  }
0x22: {  	[simem:s7], [sflag:s8] =	dma.local @!p0 [hbm:s6], $0xF7A  }
0x23: {  	s9 =	sor.u32 $0xD0000000, s2;
	s6 =	simm.s32 $0x108;
	_ =	swait.ge @!p0 [sflag:s8], $0x0  }
0x24: {  	s3 =	sadd.s32 $0x88, s3;
	s6 =	simm.s32 @!p1 $0x1082;
	[sflag:s4] =	ssyncset.s32 $0xFFFFF086  }
0x25: {  	[simem:s6], [sflag:s4] =	dma.local [hbm:s3], $0xF7A  }
0x26: {  	[smem:$0x3F9F] =	sst s1;
	(tag) =	ssettag s2;
	_ =	strace s9  }
0x27: {  	s1 =	sld [smem:$0x3FAF]  }
0x28: {  	s2 =	sld [smem:$0x3FB0]  }
0x29: {  	s4 =	sld [smem:$0x3FB2]  }
0x2a: {  	p0 =	seq.s32 s5, $0x0;
	s5 =	sld [smem:$0x3FB3]  }
0x2b: {  	s6 =	sld [smem:$0x3FB4]  }
0x2c: {  	s7 =	sld [smem:$0x3FB5]  }
0x2d: {  	s3 =	simm.s32 $0x108;
	s8 =	sld [smem:$0x3FB6]  }
0x2e: {  	s3 =	simm.s32 @!p0 $0x1082;
	s9 =	sld [smem:$0x3FB7]  }
0x2f: {  	lr =	sadd.s32 s0, s3;
	s0 =	sld [smem:$0x3FAE]  }
0x30: {  	s3 =	sld [smem:$0x3FB1]  }
0x31: {  	[smem:$0x3FBA] =	sst s10  }
0x32: {  	s10 =	sld [smem:$0x3FB8];
	_ =	sdelay $0x3  }
0x33: {  	p0 =	seq.s32 s10, $0x1;
	s10 =	sld [smem:$0x3FBA];
	_ =	sdelay $0x3  }
0x34: {  	[smem:$0x3FBA] =	sst s10  }
0x35: {  	s10 =	sld [smem:$0x3FB9];
	_ =	sdelay $0x3  }
0x36: {  	p1 =	seq.s32 s10, $0x1;
	s10 =	sld [smem:$0x3FBA];
	_ =	sdelay $0x3  }
0x37: {  	[smem:$0x3FBA] =	sst s10  }
0x38: {  	s10 =	sld [smem:$0x3FBB]  }
0x39: {  	_ = 	snop;
	(pc) =	sbr.ind lr, $3  }
0x3a: {  	_ = 	snop  }
0x3b: {  	_ = 	snop  }
0x3c: {  	p2 =	seq.s32 s10, $0x1;
	s10 =	sld [smem:$0x3FBA]  }
0x3d: {  	_ =	shalt  }
0x3e: {  	_ =	shalt  }
0x3f: {  	_ =	shalt  }
0x40: {  	_ =	shalt  }
0x41: {  	_ =	shalt  }
0x42: {  	_ =	shalt  }
0x43: {  	_ =	shalt  }
0x44: {  	_ =	shalt  }
0x45: {  	_ =	shalt  }
0x46: {  	_ =	shalt  }
0x47: {  	_ =	shalt  }
0x48: {  	_ =	shalt  }
0x49: {  	_ =	shalt  }
0x4a: {  	_ =	shalt  }
0x4b: {  	_ =	shalt  }
0x4c: {  	_ =	shalt  }
0x4d: {  	_ =	shalt  }
0x4e: {  	_ =	shalt  }
0x4f: {  	_ =	shalt  }
0x50: {  	_ =	shalt  }
0x51: {  	_ =	shalt  }
0x52: {  	_ =	shalt  }
0x53: {  	_ =	shalt  }
0x54: {  	_ =	shalt  }
0x55: {  	_ =	shalt  }
0x56: {  	_ =	shalt  }
0x57: {  	_ =	shalt  }
0x58: {  	_ =	shalt  }
0x59: {  	_ =	shalt  }
0x5a: {  	_ =	shalt  }
0x5b: {  	_ =	shalt  }
0x5c: {  	_ =	shalt  }
0x5d: {  	_ =	shalt  }
0x5e: {  	_ =	shalt  }
0x5f: {  	_ =	shalt  }
0x60: {  	_ =	shalt  }
0x61: {  	_ =	shalt  }
0x62: {  	_ =	shalt  }
0x63: {  	_ =	shalt  }
0x64: {  	_ =	shalt  }
0x65: {  	_ =	shalt  }
0x66: {  	_ =	shalt  }
0x67: {  	_ =	shalt  }
0x68: {  	_ =	shalt  }
0x69: {  	_ =	shalt  }
0x6a: {  	_ =	shalt  }
0x6b: {  	_ =	shalt  }
0x6c: {  	_ =	shalt  }
0x6d: {  	_ =	shalt  }
0x6e: {  	_ =	shalt  }
0x6f: {  	_ =	shalt  }
0x70: {  	_ =	shalt  }
0x71: {  	_ =	shalt  }
0x72: {  	_ =	shalt  }
0x73: {  	_ =	shalt  }
0x74: {  	_ =	shalt  }
0x75: {  	_ =	shalt  }
0x76: {  	_ =	shalt  }
0x77: {  	_ =	shalt  }
0x78: {  	_ =	shalt  }
0x79: {  	_ =	shalt  }
0x7a: {  	_ =	shalt  }
0x7b: {  	_ =	shalt  }
0x7c: {  	_ =	shalt  }
0x7d: {  	_ =	shalt  }
0x7e: {  	_ =	shalt  }
0x7f: {  	_ =	shalt  }
0x80: {  	_ =	shalt  }
0x81: {  	_ =	shalt  }
0x82: {  	_ =	shalt  }
0x83: {  	_ =	shalt  }
0x84: {  	_ =	shalt  }
0x85: {  	_ =	shalt  }
0x86: {  	_ =	shalt  }
0x87: {  	_ =	shalt  }
.Lfunc_end0:
.L_simem_size_0:
called_computation_lowered:
.L_overlay_start_0:
0x88: {  	s2 =	sld [smem:$0x3FD9]  }
0x89: {  	s3 =	sld [smem:$0x3FFE];
	_ =	sdelay $0x1  }
0x8a: {  	s1 =	srdreg.scid  }
0x8b: {  	s0 =	sand.u32 $0x1, s1  }
0x8c: {  	s17 =	sshll.u32 s0, $0xA;
	s2 =	sadd.s32 s3, s2  }
0x8d: {  	s2 =	sadd.s32 s2, s17  }
0x8e: {  	[smem:$0x3FC6] =	sst s2  }
0x8f: {  	_ = 	snop  }
0x90: {  	s2 =	sld [smem:$0x3FC8]  }
0x91: {  	s18 =	sld [smem:$0x3FD0];
	(tm) =	ssettm $0x1  }
0x92: {  	s4 =	sld [smem:$0x3FFB];
	_ =	sdelay $0x3  }
0x93: {  	_ =	strace s4  }
0x94: {  	s4 =	sld [smem:$0x3FFC];
	_ =	sdelay $0x3  }
0x95: {  	_ =	strace s4  }
0x96: {  	s4 =	sld [smem:$0x3FFD];
	_ =	sdelay $0x3  }
0x97: {  	_ =	strace s4  }
0x98: {  	_ =	strace $0x8FFFFFFF  }
0x99: {  	s19 =	sld [smem:$0x3FDB];
	_ =	sdelay $0x1  }
0x9a: {  	s5 =	simm.s32 $_scs_section_size  }
0x9b: {  	s6 =	simm.s32 $_size__tile_overlayer_lowered;
	s7 =	simm.s32 $_tile_overlayer_lowered  }
0x9c: {  	s22 =	simm.s32 $0x1BFF;
	s21 =	sshll.u32 s7, $0x1;
	s4 =	sadd.s32 s5, s19  }
0x9d: {  	s8 =	simm.s32 $0x0;
	s20 =	sshll.u32 s6, $0x1;
	s6 =	sadd.s32 s21, s4  }
0x9e: {  	[timem:s8], [sflag:s22] =	dma.local [hbm:s6], s20  }
0x9f: {  	_ =	swait.ge [sflag:s22], s20  }
0xa0: {  	s5 =	ssub.s32 $0x0, s20;
	[sflag:s22] =	ssyncset.done $0x0  }
0xa1: {  	[sflag:s22] =	ssyncadd.s32 s5;
	_ =	sdelay $0x1  }
0xa2: {  	s23 =	simm.s32 $0x1B8B  }
0xa3: {  	_ =	swait.ge [sflag:s23], $0x1  }
0xa4: {  	[sflag:s23] =	ssyncset.done $0x0  }
0xa5: {  	s25 =	simm.s32 $0x1B8E;
	s24 =	sld [smem:$0x3FFE];
	[sflag:s23] =	ssyncadd.s32 $0xFFFFFFFF  }
0xa6: {  	s26 =	simm.s32 $execute0_lowered;
	[smem:$0x3FD2] =	sst s25  }
0xa7: {  	s6 =	sshll.u32 s26, $0x1;
	_ =	strace $0x80000046;
	[dreg:$0x1] =	wrdreg $0xFFFFFFFF  }
0xa8: {  	s28 =	simm.s32 $_size_execute0_lowered;
	s4 =	sadd.s32 s4, s6;
	[dreg:$0x0] =	wrdreg $0x0  }
0xa9: {  	s6 =	sshll.u32 s28, $0x1;
	[dreg:$0x2] =	wrdreg s4  }
0xaa: {  	[dreg:$0x3] =	wrdreg s6  }
0xab: {  	[dreg:$0x4] =	wrdreg $0xC0  }
0xac: {  	_ =	task [dreg:s8], $0x5FFFF  }
0xad: {  	[dreg:$0x1] =	wrdreg $0xFFFFFFFF  }
0xae: {  	[dreg:$0x0] =	wrdreg $0x60  }
0xaf: {  	[dreg:$0x2] =	wrdreg s2  }
0xb0: {  	[dreg:$0x3] =	wrdreg s24  }
0xb1: {  	[dreg:$0x4] =	wrdreg s18  }
0xb2: {  	[dreg:$0x5] =	wrdreg $0x164000  }
0xb3: {  	[dreg:$0x6] =	wrdreg $0x9  }
0xb4: {  	_ =	task.clear_ibuf [dreg:s8], $0x7FFFF;
	_ =	strace $0x90000046  }
0xb5: {  	s29 =	simm.s32 $0x9;
	_ =	strace $0x80000048  }
0xb6: {  	_ =	swait.ge [sflag:s29], $0x1  }
0xb7: {  	[sflag:s29] =	ssyncadd.s32 $0xFFFFFFFF  }
0xb8: {  	_ =	strace $0x90000048  }
0xb9: {  	_ =	sfence  }
0xba: {  	s30 =	sld [smem:$0x0];
	_ =	sdelay $0x2  }
0xbb: {  	s31 =	sshll.u32 s1, $0xD;
	s1 =	sshrl.u32 s1, $0x2  }
0xbc: {  	s3 =	sand.u32 $0x4000, s31;
	s1 =	sadd.s32 s1, s30  }
0xbd: {  	s0 =	sor.u32 s3, s0;
	s1 =	sshll.u32 s1, $0x11  }
0xbe: {  	s0 =	sor.u32 s1, s0  }
0xbf: {  	s0 =	sadd.s32 $0x8F2B, s0  }
0xc0: {  	[sflag:s0] =	ssyncadd.remote.s32 $0x1  }
0xc1: {  	_ =	sfence.sel $0xFFFF  }
0xc2: {  	[dreg:$0x0] =	wrdreg $0xFFFFFFFF;
	(pc) =	sbr.abs _section_cstart, $3  }
0xc3: {  	[dreg:$0x1] =	wrdreg $0xFFFFFFFF  }
0xc4: {  	_ =	task.clear_ibuf [dreg:s8], $0x2FFFF;
	_ =	strace $0x9FFFFFFF  }
0xc5: {  	(tm) =	ssettm $0x7FFFFFFF  }
tec
execute0_lowered:
.L_overlay_start_1:
0x0: {  	(tag) =	ssettag $0x1  }
0x1: {  	s1 =	rddreg [dreg:$0x0]  }
0x2: {  	s0 =	rddreg [dreg:$0x1]  }
0x3: {  	s2 =	rddreg [dreg:$0x2]  }
0x4: {  	s3 =	srdreg.scid;
	s11 =	stileid.u32  }
0x5: {  	s4 =	rddreg [dreg:$0x3];
	s29 =	simm.s32 $0x4;
	s30 =	simm.s32 $0x3  }
0x6: {  	s7 =	sand.u32 $0x1, s3;
	s5 =	sshll.u32 s11, $0x1;
	s19 =	smul.u32 $0x640000, s11  }
0x7: {  	s31 =	simm.s32 $0x0;
	s5 =	sor.u32 s7, s5;
	s20 =	smul.u32 $0x320000, s7  }
0x8: {  	s3 =	simm.s32 $0x0;
	s18 =	sshll.u32 s11, $0xF;
	s6 =	smul.u32 $0xC80, s5  }
0x9: {  	[smem:$0x7FF] =	sst s3;
	s8 =	ssub.s32 $0x2, s7;
	s9 =	smul.u32 $0x64000, s5  }
0xa: {  	_ =	strace $0x80000047;
	s15 =	sshrl.u32 s8, $0x1;
	s16 =	smul.u32 $0x320000, s5  }
0xb: {  	s10 =	ssub.s32 s8, s15;
	s0 =	sadd.s32 s6, s0;
	s17 =	sadd.s32 s2, s9  }
0xc: {  	s6 =	sadd.s32 s18, s4;
	s4 =	sadd.s32 s20, s19;
	s28 =	smax.u32 s10, $0x1  }
0xd: {  	s18 =	simm.s32 $0x6400;
	s19 =	simm.s32 $0xA400;
	[dreg:$0x6] =	wrdreg s17  }
0xe: {  	s0 =	sadd.s32 $0x400, s0;
	s21 =	sadd.s32 $0x1000, s17;
	[dreg:$0xc] =	wrdreg s28  }
0xf: {  	s8 =	sadd.s32 $0x4000, s6;
	s5 =	sadd.s32 $0x800, s17;
	[dreg:$0x5] =	wrdreg s0  }
0x10: {  	s24 =	sor.u32 $0x10000, s4;
	s4 =	sor.u32 $0xC000, s4;
	[dreg:$0x7] =	wrdreg s21  }
0x11: {  	s17 =	simm.s32 $0x80;
	s0 =	sshrl.u32 s16, $0x3;
	[dreg:$0x8] =	wrdreg s5  }
0x12: {  	s25 =	sshrl.u32 s24, $0x3;
	s26 =	sshrl.u32 s4, $0x3;
	s0 =	sadd.s32 s2, s0  }
0x13: {  	s21 =	simm.s32 $0xE400;
	s24 =	simm.s32 $0x12400;
	s22 =	sadd.s32 $0x63000, s0  }
0x14: {  	s4 =	sadd.s32 s25, s2;
	s23 =	sadd.s32 $0x62800, s0;
	[dreg:$0x9] =	wrdreg s22  }
0x15: {  	s9 =	sadd.s32 s26, s2;
	s0 =	sadd.s32 $0x63800, s0;
	[dreg:$0xa] =	wrdreg s23  }
0x16: {  	s25 =	simm.s32 $0x2;
	[dreg:$0xb] =	wrdreg s0;
	s22 =	simm.s32 $0x1  }
.LBB2_1:
0x17: {  	s0 =	rddreg [dreg:$0x5];
	s15 =	simm.s32 $0x5  }
0x18: {  	[tilespmem:s3], [sflag:$0x5] =	stream.linear.gather [hbm4b:s0+s3], $0x6400, $0x38;
	[tilespmem:$0x1E400] =	vst v63  }
0x19: {  	_ =	swait.ge [sflag:s15], $0x6400  }
0x1a: {  	[sflag:s15] =	ssyncset.done $0x0  }
0x1b: {  	[sflag:s15] =	ssyncadd.s32 $0xFFFF9C00  }
0x1c: {  	[tilespmem:s18], [sflag:$0x1] =	stream.indirect.gather [hbm4b:s1+s17], $0x80, s3, s17, $0xb8;
	[tilespmem:$0x1E400] =	vst v63  }
0x1d: {  	_ = 	snop  }
0x1e: {  	[tilespmem:s19], [sflag:$0x1] =	stream.indirect.gather [hbm4b:s1+s17], $0x80, s17, s17, $0xb8;
	[tilespmem:$0x1E400] =	vst v63  }
0x1f: {  	s16 =	simm.s32 $0x100  }
0x20: {  	[tilespmem:s21], [sflag:$0x1] =	stream.indirect.gather [hbm4b:s1+s17], $0x80, s16, s17, $0xb8;
	[tilespmem:$0x1E400] =	vst v63  }
0x21: {  	_ =	swait.ge [sflag:s22], $0x4000  }
0x22: {  	[sflag:s22] =	ssyncset.done $0x0  }
0x23: {  	s20 =	rddreg [dreg:$0x6];
	[sflag:s22] =	ssyncadd.s32 $0xFFFFC000  }
0x24: {  	[hbm4b:s20+s3] =	stream.linear.scatter [tilespmem:s18], [sflag:$0x2], $0x4000, $0x38;
	[tilespmem:$0x1E400] =	vst v63  }
0x25: {  	s23 =	simm.s32 $0x180  }
0x26: {  	[tilespmem:s24], [sflag:$0x1] =	stream.indirect.gather [hbm4b:s1+s17], $0x80, s23, s17, $0xb8;
	[tilespmem:$0x1E400] =	vst v63  }
0x27: {  	_ =	swait.ge [sflag:s22], $0x4000  }
0x28: {  	[sflag:s22] =	ssyncset.done $0x0  }
0x29: {  	[sflag:s22] =	ssyncadd.s32 $0xFFFFC000  }
0x2a: {  	[spmem:s6] =	stream.linear.scatter [tilespmem:s19], [sflag:$0x3], $0x4000, $0x38;
	[tilespmem:$0x1E400] =	vst v63  }
0x2b: {  	_ =	swait.ge [sflag:s25], $0x4000  }
0x2c: {  	[sflag:s25] =	ssyncset.done $0x0  }
0x2d: {  	s26 =	simm.s32 $0x200;
	[sflag:s25] =	ssyncadd.s32 $0xFFFFC000  }
0x2e: {  	[tilespmem:s18], [sflag:$0x1] =	stream.indirect.gather [hbm4b:s1+s17], $0x80, s26, s17, $0xb8;
	[tilespmem:$0x1E400] =	vst v63  }
0x2f: {  	_ =	swait.ge [sflag:s22], $0x4000  }
0x30: {  	[sflag:s22] =	ssyncset.done $0x0  }
0x31: {  	s2 =	rddreg [dreg:$0x7];
	[sflag:s22] =	ssyncadd.s32 $0xFFFFC000  }
0x32: {  	[hbm4b:s2+s3] =	stream.linear.scatter [tilespmem:s21], [sflag:$0x2], $0x4000, $0x38;
	[tilespmem:$0x1E400] =	vst v63  }
0x33: {  	_ =	swait.ge [sflag:s30], $0x4000  }
0x34: {  	[sflag:s30] =	ssyncset.done $0x0  }
0x35: {  	s5 =	simm.s32 $0x280;
	s7 =	stileid.u32;
	[sflag:s30] =	ssyncadd.s32 $0xFFFFC000  }
0x36: {  	[tilespmem:s19], [sflag:$0x1] =	stream.indirect.gather [hbm4b:s1+s17], $0x80, s5, s17, $0xb8;
	[tilespmem:$0x1E400] =	vst v63  }
0x37: {  	s0 =	sshll.u32 s7, $0x6;
	_ =	swait.ge [sflag:s22], $0x4000  }
0x38: {  	s2 =	sor.u32 $0x1C04, s0;
	[sflag:s22] =	ssyncset.done $0x0  }
0x39: {  	s0 =	sshrl.u32 s6, $0x3;
	s5 =	rddreg [dreg:$0x8];
	[sflag:s22] =	ssyncadd.s32 $0xFFFFC000  }
0x3a: {  	[spmem:s8] =	stream.linear.scatter [tilespmem:s24], [sflag:$0x3], $0x4000, $0x38;
	[tilespmem:$0x1E400] =	vst v63  }
0x3b: {  	[hbm:s5], [sflag:s2] =	dma.local [spmem:s0], $0x800  }
0x3c: {  	_ =	swait.ge [sflag:s29], $0x800  }
0x3d: {  	[sflag:s29] =	ssyncset.done $0x0  }
0x3e: {  	s7 =	simm.s32 $0x60000;
	[sflag:s29] =	ssyncadd.s32 $0xFFFFF800  }
0x3f: {  	s10 =	simm.s32 $0x300;
	s7 =	sand.u32 $0x20000, s7;
	_ =	swait.ge [sflag:s25], $0x4000  }
0x40: {  	s14 =	simm.s32 $0x40000;
	s7 =	sshrl.u32 s7, $0x2;
	[sflag:s25] =	ssyncset.done $0x0  }
0x41: {  	s11 =	simm.s32 $0x70000;
	s7 =	sor.u32 $0x6400, s7;
	[sflag:s25] =	ssyncadd.s32 $0xFFFFC000  }
0x42: {  	[tilespmem:s7], [sflag:$0x1] =	stream.indirect.gather [hbm4b:s1+s17], $0x80, s10, s17, $0xb8;
	[tilespmem:$0x1E400] =	vst v63  }
0x43: {  	s13 =	simm.s32 $0x20000;
	s10 =	sand.u32 $0x20000, s14;
	_ =	swait.ge [sflag:s22], $0x4000  }
0x44: {  	s28 =	simm.s32 $0x5;
	s7 =	sshrl.u32 s10, $0x2;
	[sflag:s22] =	ssyncset.done $0x0  }
0x45: {  	s15 =	simm.s32 $0x380;
	s12 =	sor.u32 $0x6400, s7;
	[sflag:s22] =	ssyncadd.s32 $0xFFFFC000  }
0x46: {  	[hbm4b:s4+s3] =	stream.linear.scatter [tilespmem:s12], [sflag:$0x2], $0x4000, $0x38;
	[tilespmem:$0x1E400] =	vst v63  }
0x47: {  	s20 =	simm.s32 $0x90000;
	s10 =	sand.u32 $0x30000, s11;
	_ =	swait.ge [sflag:s30], $0x4000  }
0x48: {  	s23 =	simm.s32 $0x30000;
	s10 =	sshrl.u32 s10, $0x2;
	[sflag:s30] =	ssyncset.done $0x0  }
0x49: {  	s14 =	sand.u32 $0x10000, s13;
	s10 =	sadd.s32 $0x6400, s10;
	[sflag:s30] =	ssyncadd.s32 $0xFFFFC000  }
0x4a: {  	[tilespmem:s10], [sflag:$0x1] =	stream.indirect.gather [hbm4b:s1+s17], $0x80, s15, s17, $0xb8;
	[tilespmem:$0x1E400] =	vst v63  }
0x4b: {  	s26 =	simm.s32 $0x400;
	s14 =	sshrl.u32 s14, $0x2;
	s15 =	sand.u32 $0x8000, s30  }
0x4c: {  	s7 =	sadd.s32 $0xA400, s7;
	_ =	swait.ge [sflag:s22], $0x4000;
	s10 =	sshrl.u32 s15, $0xF  }
0x4d: {  	s14 =	sadd.s32 s14, s6;
	[sflag:s22] =	ssyncset.done $0x0;
	s10 =	sadd.s32 $0x3, s10  }
0x4e: {  	s15 =	smov.u32 s9;
	[sflag:s22] =	ssyncadd.s32 $0xFFFFC000;
	s16 =	sshll.u32 s10, $0xD  }
0x4f: {  	[spmem:s14] =	stream.linear.scatter [tilespmem:s7], [sflag:$0x3], $0x4000, $0x38;
	[tilespmem:$0x1E400] =	vst v63  }
0x50: {  	s10 =	sand.u32 $0x4000, s16;
	s14 =	smov.u32 s4;
	s7 =	smov.u32 s9  }
.LBB2_2:
0x51: {  	s10 =	sadd.s32 s10, s6;
	s14 =	sadd.s32 $0x1000, s14;
	s15 =	sadd.s32 $0x1000, s15  }
0x52: {  	s11 =	smov.u32 s20;
	s12 =	smov.u32 s23;
	s5 =	smov.u32 s26  }
0x53: {  	p0 =	sne.s32 s20, $0xC70000;
	s20 =	sadd.s32 $0x20000, s20;
	s10 =	sshrl.u32 s10, $0x3  }
0x54: {  	[hbm:s7], [sflag:s2] =	dma.local [spmem:s10], $0x800  }
0x55: {  	s7 =	smov.u32 s15;
	s10 =	smov.u32 s28;
	_ =	swait.ge [sflag:s29], $0x800  }
0x56: {  	[sflag:s29] =	ssyncset.done $0x0  }
0x57: {  	s13 =	sadd.s32 $0xFFFF0000, s11;
	[sflag:s29] =	ssyncadd.s32 $0xFFFFF800  }
0x58: {  	s13 =	sand.u32 $0x20000, s13;
	_ =	swait.ge [sflag:s25], $0x4000  }
0x59: {  	s23 =	sadd.s32 $0x10000, s23;
	s13 =	sshrl.u32 s13, $0x2;
	[sflag:s25] =	ssyncset.done $0x0  }
0x5a: {  	s16 =	sadd.s32 $0xFFFD0000, s11;
	s13 =	sor.u32 $0x6400, s13;
	[sflag:s25] =	ssyncadd.s32 $0xFFFFC000  }
0x5b: {  	[tilespmem:s13], [sflag:$0x1] =	stream.indirect.gather [hbm4b:s1+s17], $0x80, s26, s17, $0xb8;
	[tilespmem:$0x1E400] =	vst v63  }
0x5c: {  	s13 =	sand.u32 $0x20000, s16;
	s26 =	sadd.s32 $0x100, s26;
	_ =	swait.ge [sflag:s22], $0x4000  }
0x5d: {  	s28 =	sadd.s32 $0x2, s28;
	s13 =	sshrl.u32 s13, $0x2;
	[sflag:s22] =	ssyncset.done $0x0  }
0x5e: {  	s16 =	sor.u32 $0x6400, s13;
	s13 =	sadd.s32 $0xA400, s13;
	[sflag:s22] =	ssyncadd.s32 $0xFFFFC000  }
0x5f: {  	[hbm4b:s14+s3] =	stream.linear.scatter [tilespmem:s16], [sflag:$0x2], $0x4000, $0x38;
	[tilespmem:$0x1E400] =	vst v63  }
0x60: {  	s11 =	sand.u32 $0x30000, s11;
	s5 =	sadd.s32 $0x80, s5;
	_ =	swait.ge [sflag:s30], $0x4000  }
0x61: {  	s11 =	sshrl.u32 s11, $0x2;
	s16 =	sand.u32 $0x8000, s10;
	[sflag:s30] =	ssyncset.done $0x0  }
0x62: {  	s11 =	sadd.s32 $0x6400, s11;
	s16 =	sshrl.u32 s16, $0xF;
	[sflag:s30] =	ssyncadd.s32 $0xFFFFC000  }
0x63: {  	[tilespmem:s11], [sflag:$0x1] =	stream.indirect.gather [hbm4b:s1+s17], $0x80, s5, s17, $0xb8;
	[tilespmem:$0x1E400] =	vst v63  }
.Ltmp0:
0x64: {  	_ = 	snop;
	(pc) =	sbr.rel @p0 .LBB2_2-.Ltmp0, $4  }
0x65: {  	s10 =	sadd.s32 s16, s10;
	s5 =	sand.u32 $0x10000, s12;
	_ =	swait.ge [sflag:s22], $0x4000  }
0x66: {  	s10 =	sshll.u32 s10, $0xD;
	s5 =	sshrl.u32 s5, $0x2;
	[sflag:s22] =	ssyncset.done $0x0  }
0x67: {  	s10 =	sand.u32 $0x4000, s10;
	s5 =	sadd.s32 s5, s6;
	[sflag:s22] =	ssyncadd.s32 $0xFFFFC000  }
0x68: {  	[spmem:s5] =	stream.linear.scatter [tilespmem:s13], [sflag:$0x3], $0x4000, $0x38;
	[tilespmem:$0x1E400] =	vst v63  }
0x69: {  	s5 =	sadd.s32 s10, s6  }
0x6a: {  	s5 =	sshrl.u32 s5, $0x3  }
0x6b: {  	[hbm:s7], [sflag:s2] =	dma.local [spmem:s5], $0x800  }
0x6c: {  	_ =	swait.ge [sflag:s29], $0x800  }
0x6d: {  	[sflag:s29] =	ssyncset.done $0x0  }
0x6e: {  	[sflag:s29] =	ssyncadd.s32 $0xFFFFF800  }
0x6f: {  	_ =	swait.ge [sflag:s25], $0x4000  }
0x70: {  	[sflag:s25] =	ssyncset.done $0x0  }
0x71: {  	[sflag:s25] =	ssyncadd.s32 $0xFFFFC000  }
0x72: {  	_ =	swait.ge [sflag:s22], $0x4000  }
0x73: {  	[sflag:s22] =	ssyncset.done $0x0  }
0x74: {  	s16 =	rddreg [dreg:$0x9];
	[sflag:s22] =	ssyncadd.s32 $0xFFFFC000  }
0x75: {  	[hbm4b:s16+s3] =	stream.linear.scatter [tilespmem:s21], [sflag:$0x2], $0x4000, $0x38;
	[tilespmem:$0x1E400] =	vst v63  }
0x76: {  	_ =	swait.ge [sflag:s30], $0x4000  }
0x77: {  	[sflag:s30] =	ssyncset.done $0x0  }
0x78: {  	[sflag:s30] =	ssyncadd.s32 $0xFFFFC000  }
0x79: {  	_ =	swait.ge [sflag:s22], $0x4000  }
0x7a: {  	[sflag:s22] =	ssyncset.done $0x0  }
0x7b: {  	s20 =	rddreg [dreg:$0xa];
	[sflag:s22] =	ssyncadd.s32 $0xFFFFC000  }
0x7c: {  	[spmem:s8] =	stream.linear.scatter [tilespmem:s24], [sflag:$0x3], $0x4000, $0x38;
	[tilespmem:$0x1E400] =	vst v63  }
0x7d: {  	[hbm:s20], [sflag:s2] =	dma.local [spmem:s0], $0x800  }
0x7e: {  	_ =	swait.ge [sflag:s30], $0x4000  }
0x7f: {  	[sflag:s30] =	ssyncset.done $0x0  }
0x80: {  	s23 =	sshrl.u32 s8, $0x3;
	s26 =	rddreg [dreg:$0xb];
	[sflag:s30] =	ssyncadd.s32 $0xFFFFC000  }
0x81: {  	[hbm:s26], [sflag:s2] =	dma.local [spmem:s23], $0x800  }
0x82: {  	_ =	swait.ge [sflag:s25], $0x4000  }
0x83: {  	[sflag:s25] =	ssyncset.done $0x0  }
0x84: {  	[sflag:s25] =	ssyncadd.s32 $0xFFFFC000  }
0x85: {  	_ =	swait.ge [sflag:s29], $0x800  }
0x86: {  	[sflag:s29] =	ssyncset.done $0x0  }
0x87: {  	[sflag:s29] =	ssyncadd.s32 $0xFFFFF800  }
0x88: {  	_ =	swait.ge [sflag:s29], $0x800  }
0x89: {  	s31 =	sadd.s32 $0x1, s31;
	s28 =	rddreg [dreg:$0xc]  }
0x8a: {  	p0 =	sne.s32 s31, s28  }
.Ltmp1:
0x8b: {  	_ = 	snop;
	(pc) =	sbr.rel @p0 .LBB2_1-.Ltmp1, $3  }
0x8c: {  	_ =	sdelay $0x1  }
0x8d: {  	[sflag:s29] =	ssyncset.done $0x0  }
0x8e: {  	[sflag:s29] =	ssyncadd.s32 $0xFFFFF800  }
0x8f: {  	_ =	sfence.sel $0x180000  }
0x90: {  	[bflag:$0x0] =	sbarrier.arrive $0xFFFF  }
0x91: {  	_ =	strace $0x90000047  }
0x92: {  	s0 =	stileid.u32;
	[bflag:$0x2] =	sbarrier.arrive $0xFFFF  }
0x93: {  	p0 =	sne.s32 s0, $0x0;
	s0 =	rddreg [dreg:$0x4]  }
0x94: {  	s0 =	sadd.s32 @!p0 $0x100000, s0  }
0x95: {  	[sflag:s0] =	ssyncadd.tile.s32 @!p0 $0x1;
	_ =	shalt  }
.Lfunc_end2:
_tile_overlayer_lowered:
.L_overlay_start_2:
0x96: {  	(tag) =	ssettag $0x2  }
0x97: {  	s0 =	rddreg [dreg:$0x0];
	s2 =	stileid.u32  }
0x98: {  	s1 =	rddreg [dreg:$0x1];
	p0 =	sne.s32 s2, $0x0  }
0x99: {  	s3 =	rddreg [dreg:$0x2];
	[bflag:$0x3] =	sbarrier.arrive $0xFFFF;
	s2 =	simm.s32 @!p0 $0x1C05  }
0x9a: {  	[timem:s3], [sflag:s2] =	dma.local @!p0 [hbm:s0], s1  }
0x9b: {  	s0 =	simm.s32 @!p0 $0x5  }
0x9c: {  	_ =	swait.ge @!p0 [sflag:s0], s1  }
0x9d: {  	s1 =	ssub.s32 @!p0 $0x0, s1;
	[sflag:s0] =	ssyncset.done @!p0 $0x0  }
0x9e: {  	[sflag:s0] =	ssyncadd.s32 @!p0 s1  }
0x9f: {  	[bflag:$0x3] =	sbarrier.arrive $0xFFFF  }
0xa0: {  	_ =	shalt  }

</sc_bundles>
